<compile_context>
chip_gen: v7x
topology: tpu7x:2x2x1
jax: 0.10.2.dev20260603
libtpu: 0.0.44.dev20260713+nightly
codegen_flags: <defaults>
</compile_context>

<pallas_src>
import functools

import jax
import jax.numpy as jnp
from jax import lax
from jax.experimental import pallas as pl
from jax.experimental.pallas import tpu as pltpu
from jax.experimental.pallas import tpu_sc as plsc

_B, _N, _S, _K = 8, 4096, 512, 32
_R2 = 0.2 * 0.2
_CH = 64
_NC, _NS = 2, 16
_NW = _NC * _NS
_CPW = (_B * _S) // _NW
_ROWS = _B * _S * _K
_RPW = _CPW * _K
_NCH = _N // 16



def _fps_body(xt_ref, f0_ref, nxt_ref, dist_ref):
    X = xt_ref[0]
    Y = xt_ref[1]
    Z = xt_ref[2]
    lane = lax.broadcasted_iota(jnp.int32, (_B, _N), 1)
    dist_ref[...] = jnp.full((_B, _N), 1e10, jnp.float32)

    def step(i, far):
        oh = lane == far
        c = jnp.sum(jnp.where(oh[None, :, :], xt_ref[...], 0.0),
                    axis=2, keepdims=True)
        nxt_ref[pl.ds(i, 1)] = c.reshape(1, 3, _B)
        cx = c[0]
        cy = c[1]
        cz = c[2]
        dx = X - cx
        dy = Y - cy
        dz = Z - cz
        d = dx * dx + dy * dy + dz * dz
        dm = jnp.minimum(dist_ref[...], d)
        dist_ref[...] = dm
        m = jnp.max(dm, axis=1, keepdims=True)
        return jnp.min(jnp.where(dm == m, lane, _N), axis=1, keepdims=True)

    lax.fori_loop(0, _S, step, f0_ref[...])


def _fps(xt, far0):
    return pl.pallas_call(
        _fps_body,
        out_shape=jax.ShapeDtypeStruct((_S, 3, _B), jnp.float32),
        scratch_shapes=[pltpu.VMEM((_B, _N), jnp.float32)],
    )(xt, far0)



def _bf16r(x):
    b = plsc.bitcast(x, jnp.int32)
    r = (b + 0x7FFF + ((b >> 16) & 1)) & jnp.int32(-65536)
    return plsc.bitcast(r, jnp.float32)


def _scq_body(xt_hbm, nxt_hbm, pts_hbm, zrow_hbm, xg_hbm, xp_hbm,
              xs_v, ys_v, zs_v, x2_v, xb_v, yb_v, zb_v,
              cx_v, cy_v, cz_v,
              idxbuf_v, idx_all_v, xg_v, pbufa_v, pbufb_v, gsa, gsb):
    w = lax.axis_index("s") * _NC + lax.axis_index("c")
    b = w // (_NW // _B)
    s0 = (w % (_NW // _B)) * _CPW
    boff = b * _N

    pltpu.sync_copy(xt_hbm.at[0, b], xs_v)
    pltpu.sync_copy(xt_hbm.at[1, b], ys_v)
    pltpu.sync_copy(xt_hbm.at[2, b], zs_v)
    pltpu.sync_copy(nxt_hbm.at[0, b, pl.ds(s0, _CPW)], cx_v)
    pltpu.sync_copy(nxt_hbm.at[1, b, pl.ds(s0, _CPW)], cy_v)
    pltpu.sync_copy(nxt_hbm.at[2, b, pl.ds(s0, _CPW)], cz_v)
    pltpu.sync_copy(zrow_hbm, xg_v)

    def x2_step(t, _):
        sl = pl.ds(t * 16, 16)
        xs = xs_v[sl]
        ys = ys_v[sl]
        zs = zs_v[sl]
        x2_v[sl] = (xs * xs + ys * ys) + zs * zs
        xb_v[sl] = _bf16r(xs)
        yb_v[sl] = _bf16r(ys)
        zb_v[sl] = _bf16r(zs)
        return 0

    lax.fori_loop(0, _NCH, x2_step, 0)

    iota16 = lax.iota(jnp.int32, 16)

    def sel_step(cent, _):
        csplat = jnp.full((16,), cent, jnp.int32)
        cxs = plsc.load_gather(cx_v, [csplat])
        cys = plsc.load_gather(cy_v, [csplat])
        czs = plsc.load_gather(cz_v, [csplat])
        c2s = (cxs * cxs + cys * cys) + czs * czs
        cxb = _bf16r(cxs)
        cyb = _bf16r(cys)
        czb = _bf16r(czs)

        def cond(st):
            j, cnt = st
            return jnp.logical_and(cnt < _K, j < _NCH)

        def body(st):
            j, cnt = st
            for u in range(8):
                sl = pl.ds((j + u) * 16, 16)
                xb = xb_v[sl]
                yb = yb_v[sl]
                zb = zb_v[sl]
                x2 = x2_v[sl]
                dot = (cxb * xb + cyb * yb) + czb * zb
                sq = (c2s + x2) - 2.0 * dot
                mask = jnp.logical_not(sq > _R2)
                plsc.store_compressed(idxbuf_v.at[pl.ds(cnt, 16)],
                                      iota16 + (j + u) * 16, mask=mask)
                cnt = cnt + plsc.all_reduce_population_count(mask)[0]
            return j + 8, cnt

        _, cnt = lax.while_loop(cond, body, (0, 0))
        first = plsc.load_gather(idxbuf_v, [csplat * 0])
        row = cent // 4
        col = (cent % 4) * _K
        for h in range(2):
            v = idxbuf_v[pl.ds(h * 16, 16)]
            valid = (iota16 + h * 16) < cnt
            v = jnp.where(valid, v, first)
            gx = plsc.load_gather(xs_v, [v]) - cxs
            gy = plsc.load_gather(ys_v, [v]) - cys
            gz = plsc.load_gather(zs_v, [v]) - czs
            rows = iota16 + (cent * _K + h * 16)
            plsc.store_scatter(xg_v, [rows, jnp.zeros((16,), jnp.int32)], gx)
            plsc.store_scatter(xg_v, [rows, jnp.full((16,), 1, jnp.int32)], gy)
            plsc.store_scatter(xg_v, [rows, jnp.full((16,), 2, jnp.int32)], gz)
            idx_all_v[row, pl.ds(col + h * 16, 16)] = v + boff

        @pl.when(cent % 4 == 3)
        def _fire():
            r = cent // 4

            def drain_write(buf, gs, rr):
                pltpu.make_async_copy(
                    xp_hbm.at[pl.ds(0, 128)], buf, gs).wait()
                pltpu.sync_copy(
                    buf, xp_hbm.at[pl.ds(w * _RPW + rr * 128, 128)])

            @pl.when(r % 2 == 0)
            def _a():
                @pl.when(r >= 2)
                def _():
                    drain_write(pbufa_v, gsa, r - 2)
                pltpu.async_copy(pts_hbm.at[idx_all_v.at[r]], pbufa_v, gsa)

            @pl.when(r % 2 == 1)
            def _b():
                @pl.when(r >= 2)
                def _():
                    drain_write(pbufb_v, gsb, r - 2)
                pltpu.async_copy(pts_hbm.at[idx_all_v.at[r]], pbufb_v, gsb)

        return 0

    lax.fori_loop(0, _CPW, sel_step, 0)

    nrow = _RPW // 128
    pltpu.make_async_copy(xp_hbm.at[pl.ds(0, 128)], pbufa_v, gsa).wait()
    pltpu.sync_copy(pbufa_v, xp_hbm.at[pl.ds(w * _RPW + (nrow - 2) * 128, 128)])
    pltpu.make_async_copy(xp_hbm.at[pl.ds(0, 128)], pbufb_v, gsb).wait()
    pltpu.sync_copy(pbufb_v, xp_hbm.at[pl.ds(w * _RPW + (nrow - 1) * 128, 128)])
    pltpu.sync_copy(xg_v, xg_hbm.at[pl.ds(w * _RPW, _RPW)])


_scq_cache = []


def _scq(xt, nxt, pts):
    if not _scq_cache:
        _scq_cache.append(_build_scq())
    zrow = jnp.zeros((_RPW, 8), jnp.float32)
    return _scq_cache[0](xt, nxt, pts, zrow)


def _build_scq():
    return functools.partial(
        pl.kernel,
        out_type=[jax.ShapeDtypeStruct((_ROWS, 8), jnp.float32),
                  jax.ShapeDtypeStruct((_ROWS, _CH), jnp.float32)],
        mesh=plsc.VectorSubcoreMesh(core_axis_name="c", subcore_axis_name="s",
                                    num_cores=_NC, num_subcores=_NS),
        compiler_params=pltpu.CompilerParams(needs_layout_passes=False,
                                             use_tc_tiling_on_sc=False),
        scratch_types=[
        pltpu.VMEM((_N,), jnp.float32),
        pltpu.VMEM((_N,), jnp.float32),
        pltpu.VMEM((_N,), jnp.float32),
        pltpu.VMEM((_N,), jnp.float32),
        pltpu.VMEM((_N,), jnp.float32),
        pltpu.VMEM((_N,), jnp.float32),
        pltpu.VMEM((_N,), jnp.float32),
        pltpu.VMEM((_CPW,), jnp.float32),
        pltpu.VMEM((_CPW,), jnp.float32),
        pltpu.VMEM((_CPW,), jnp.float32),
        pltpu.VMEM((160,), jnp.int32),
        pltpu.VMEM((_RPW // 128, 128), jnp.int32),
        pltpu.VMEM((_RPW, 8), jnp.float32),
            pltpu.VMEM((128, _CH), jnp.float32),
            pltpu.VMEM((128, _CH), jnp.float32),
            pltpu.SemaphoreType.DMA,
            pltpu.SemaphoreType.DMA,
        ],
    )(_scq_body)



_RT = 4096
_GRID = _ROWS // _RT


def _stats_update(acc_ref, z):
    part = jnp.concatenate([jnp.sum(z, axis=0, keepdims=True),
                            jnp.sum(z * z, axis=0, keepdims=True)], axis=0)

    @pl.when(pl.program_id(0) == 0)
    def _():
        acc_ref[...] = jnp.zeros_like(acc_ref)

    acc_ref[...] += part


def _scale_shift(acc_ref, gb_ref):
    mean = acc_ref[0:1, :] * (1.0 / _ROWS)
    var = acc_ref[1:2, :] * (1.0 / _ROWS) - mean * mean
    scale = gb_ref[0:1, :] * lax.rsqrt(var + 1e-5)
    shift = gb_ref[1:2, :] - mean * scale
    return scale, shift


def _z0(xg_ref, xp_ref, wg_ref, wp_ref):
    z = jnp.dot(xg_ref[...], wg_ref[...], preferred_element_type=jnp.float32)
    return z + jnp.dot(xp_ref[...], wp_ref[...],
                       preferred_element_type=jnp.float32)


def _m1s_body(xg_ref, xp_ref, wg_ref, wp_ref, acc_ref):
    _stats_update(acc_ref, _z0(xg_ref, xp_ref, wg_ref, wp_ref))


def _m1s(xg, xp, wg, wp):
    return pl.pallas_call(
        _m1s_body,
        grid=(_GRID,),
        in_specs=[
            pl.BlockSpec((_RT, 8), lambda i: (i, 0)),
            pl.BlockSpec((_RT, _CH), lambda i: (i, 0)),
            pl.BlockSpec((8, 128), lambda i: (0, 0)),
            pl.BlockSpec((_CH, 128), lambda i: (0, 0)),
        ],
        out_specs=pl.BlockSpec((2, 128), lambda i: (0, 0)),
        out_shape=jax.ShapeDtypeStruct((2, 128), jnp.float32),
    )(xg, xp, wg, wp)


def _m2_body(xg_ref, xp_ref, wg_ref, wp_ref, acc_ref, gb_ref, w_ref,
             o_ref, oacc_ref):
    z = _z0(xg_ref, xp_ref, wg_ref, wp_ref)
    scale, shift = _scale_shift(acc_ref, gb_ref)
    zn = jnp.maximum(z * scale + shift, 0.0)
    o = jnp.dot(zn, w_ref[...], preferred_element_type=jnp.float32)
    o_ref[...] = o
    _stats_update(oacc_ref, o)


def _m2(xg, xp, wg, wp, acc, gb, wt):
    return pl.pallas_call(
        _m2_body,
        grid=(_GRID,),
        in_specs=[
            pl.BlockSpec((_RT, 8), lambda i: (i, 0)),
            pl.BlockSpec((_RT, _CH), lambda i: (i, 0)),
            pl.BlockSpec((8, 128), lambda i: (0, 0)),
            pl.BlockSpec((_CH, 128), lambda i: (0, 0)),
            pl.BlockSpec((2, 128), lambda i: (0, 0)),
            pl.BlockSpec((2, 128), lambda i: (0, 0)),
            pl.BlockSpec((128, 128), lambda i: (0, 0)),
        ],
        out_specs=[
            pl.BlockSpec((_RT, 128), lambda i: (i, 0)),
            pl.BlockSpec((2, 128), lambda i: (0, 0)),
        ],
        out_shape=[jax.ShapeDtypeStruct((_ROWS, 128), jnp.float32),
                   jax.ShapeDtypeStruct((2, 128), jnp.float32)],
    )(xg, xp, wg, wp, acc, gb, wt)


def _m3s_body(z_ref, acc_ref, gb_ref, w_ref, oacc_ref):
    scale, shift = _scale_shift(acc_ref, gb_ref)
    zn = jnp.maximum(z_ref[...] * scale + shift, 0.0)
    o = jnp.dot(zn, w_ref[...], preferred_element_type=jnp.float32)
    _stats_update(oacc_ref, o)


def _m3s(z, acc, gb, wt):
    return pl.pallas_call(
        _m3s_body,
        grid=(_GRID,),
        in_specs=[
            pl.BlockSpec((_RT, 128), lambda i: (i, 0)),
            pl.BlockSpec((2, 128), lambda i: (0, 0)),
            pl.BlockSpec((2, 128), lambda i: (0, 0)),
            pl.BlockSpec((128, 256), lambda i: (0, 0)),
        ],
        out_specs=pl.BlockSpec((2, 256), lambda i: (0, 0)),
        out_shape=jax.ShapeDtypeStruct((2, 256), jnp.float32),
    )(z, acc, gb, wt)


def _m4_body(z_ref, acc_ref, gb_ref, w_ref, acc2_ref, gb2_ref, o_ref):
    scale, shift = _scale_shift(acc_ref, gb_ref)
    zn = jnp.maximum(z_ref[...] * scale + shift, 0.0)
    z2 = jnp.dot(zn, w_ref[...], preferred_element_type=jnp.float32)
    s2, sh2 = _scale_shift(acc2_ref, gb2_ref)
    z2n = jnp.maximum(z2 * s2 + sh2, 0.0)
    o_ref[...] = jnp.max(z2n.reshape(_RT // _K, _K, 256), axis=1)


def _m4(z, acc, gb, wt, acc2, gb2):
    return pl.pallas_call(
        _m4_body,
        grid=(_GRID,),
        in_specs=[
            pl.BlockSpec((_RT, 128), lambda i: (i, 0)),
            pl.BlockSpec((2, 128), lambda i: (0, 0)),
            pl.BlockSpec((2, 128), lambda i: (0, 0)),
            pl.BlockSpec((128, 256), lambda i: (0, 0)),
            pl.BlockSpec((2, 256), lambda i: (0, 0)),
            pl.BlockSpec((2, 256), lambda i: (0, 0)),
        ],
        out_specs=pl.BlockSpec((_RT // _K, 256), lambda i: (i, 0)),
        out_shape=jax.ShapeDtypeStruct((_B * _S, 256), jnp.float32),
    )(z, acc, gb, wt, acc2, gb2)



def kernel(xyz, points, W0, b0, g0, beta0, W1, b1, g1, beta1,
           W2, b2, g2, beta2):
    xt = jnp.transpose(xyz, (2, 0, 1))
    far0 = jax.random.randint(jax.random.key(1), (_B,), 0, _N)
    far0 = far0.astype(jnp.int32)[:, None]
    nxt2 = _fps(xt, far0)
    nxt = jnp.transpose(nxt2, (1, 2, 0))

    pts = points.reshape(_B * _N, _CH)
    xg, xp = _scq(xt, nxt, pts)

    wg = jnp.zeros((8, 128), jnp.float32).at[0:3, :].set(W0[:, 0:3].T)
    wp = W0[:, 3:].T
    gb0 = jnp.stack([g0, beta0])
    gb1 = jnp.stack([g1, beta1])
    gb2 = jnp.stack([g2, beta2])
    w2t = W2.T
    acc0 = _m1s(xg, xp, wg, wp)
    z1, acc1 = _m2(xg, xp, wg, wp, acc0, gb0, W1.T)
    acc2 = _m3s(z1, acc1, gb1, w2t)
    out = _m4(z1, acc1, gb1, w2t, acc2, gb2)

    new_xyz = jnp.transpose(nxt2, (2, 0, 1))
    return (new_xyz, out.reshape(_B, _S, 256))

# --- scband reference (transcript-rebuilt; emitter-appended) ---
"""Pipeline reference for scband-set-abstraction-31336081392126 (READ-ONLY COPY).

The authoritative reference and input builder live on the scoring server;
editing this copy changes nothing except your own understanding.
"""

import jax, jax.numpy as jnp
import numpy as np

B, N, NPOINT, NSAMPLE = 8, 4096, 512, 32
RADIUS = 0.2
IN_CH = 64
MLP = [128, 128, 256]


def setup_inputs(seed: int = 0) -> dict:
    key = jax.random.key(seed)
    ks = jax.random.split(key, 2 + 3 * len(MLP))
    xyz = jax.random.uniform(ks[0], (B, N, 3), dtype=jnp.float32)
    points = jax.random.normal(ks[1], (B, N, IN_CH), dtype=jnp.float32)
    inp = {"xyz": xyz, "points": points}
    last = 3 + IN_CH
    for i, out_ch in enumerate(MLP):
        inp[f"W{i}"] = jax.random.normal(ks[2 + 3 * i], (out_ch, last), dtype=jnp.float32) * (1.0 / np.sqrt(last))
        inp[f"b{i}"] = jnp.zeros((out_ch,), jnp.float32)
        inp[f"g{i}"] = jnp.ones((out_ch,), jnp.float32)
        inp[f"beta{i}"] = jnp.zeros((out_ch,), jnp.float32)
        last = out_ch
    return inp


def index_points(points, idx):
    Bn = points.shape[0]
    if idx.ndim == 2:
        return points[jnp.arange(Bn)[:, None], idx]
    else:
        return points[jnp.arange(Bn)[:, None, None], idx]


def farthest_point_sample(xyz, npoint):
    Bn, Nn, _ = xyz.shape
    farthest0 = jax.random.randint(jax.random.key(1), (Bn,), 0, Nn)
    distance0 = jnp.full((Bn, Nn), 1e10, dtype=jnp.float32)

    def step(carry, _):
        distance, farthest = carry
        centroid = xyz[jnp.arange(Bn), farthest][:, None, :]
        dist = jnp.sum((xyz - centroid) ** 2, axis=-1)
        distance = jnp.minimum(distance, dist)
        nxt = jnp.argmax(distance, axis=-1)
        return (distance, nxt), farthest

    (_, _), cents = jax.lax.scan(step, (distance0, farthest0), None, length=npoint)
    return cents.T


def ball_query(radius, nsample, xyz, new_xyz):
    Bn, Nn, _ = xyz.shape
    S = new_xyz.shape[1]
    sqrdists = (jnp.sum(new_xyz ** 2, -1)[:, :, None]
                + jnp.sum(xyz ** 2, -1)[:, None, :]
                - 2.0 * jnp.einsum('bsd,bnd->bsn', new_xyz, xyz))
    base = jnp.broadcast_to(jnp.arange(Nn, dtype=jnp.int32)[None, None, :], (Bn, S, Nn))
    gidx = jnp.where(sqrdists > radius ** 2, Nn, base)
    gidx = jnp.sort(gidx, axis=-1)[:, :, :nsample]
    first = gidx[:, :, 0:1]
    gidx = jnp.where(gidx == Nn, first, gidx)
    return gidx


def reference(xyz, points, W0, b0, g0, beta0, W1, b1, g1, beta1, W2, b2, g2, beta2):
    fps_idx = farthest_point_sample(xyz, NPOINT)
    new_xyz = index_points(xyz, fps_idx)
    idx = ball_query(RADIUS, NSAMPLE, xyz, new_xyz)
    grouped_xyz = index_points(xyz, idx)
    grouped_xyz_norm = grouped_xyz - new_xyz[:, :, None, :]
    grouped_points = index_points(points, idx)
    new_points = jnp.concatenate([grouped_xyz_norm, grouped_points], axis=-1)
    x = jnp.transpose(new_points, (0, 3, 2, 1))  # (B, C, nsample, npoint)
    for W, b, g, be in [(W0, b0, g0, beta0), (W1, b1, g1, beta1), (W2, b2, g2, beta2)]:
        x = jnp.einsum('oc,bcks->boks', W, x) + b[None, :, None, None]
        mean = jnp.mean(x, axis=(0, 2, 3), keepdims=True)
        var = jnp.mean((x - mean) ** 2, axis=(0, 2, 3), keepdims=True)
        x = g[None, :, None, None] * (x - mean) / jnp.sqrt(var + 1e-5) + be[None, :, None, None]
        x = jax.nn.relu(x)
    x = jnp.max(x, axis=2)  # (B, C, npoint)
    new_points_out = jnp.transpose(x, (0, 2, 1))
    return (new_xyz, new_points_out)

if __name__ == "__main__":
    import jax
    _d = setup_inputs()
    print(jax.jit(kernel)(*tuple(_d.values())))

</pallas_src>

<mosaic_0001>
#map = affine_map<(d0, d1) -> (0, 0, 0)>
#map1 = affine_map<(d0, d1) -> (0, 0)>
module attributes {stable_mosaic.version = 14 : i64} {
  func.func @_scq_body(%arg0: i32, %arg1: i32, %arg2: memref<3x8x4096xf32, #tpu.memory_space<hbm>>, %arg3: memref<3x8x512xf32, #tpu.memory_space<hbm>>, %arg4: memref<32768x64xf32, #tpu.memory_space<hbm>>, %arg5: memref<4096x8xf32, #tpu.memory_space<hbm>>, %arg6: memref<131072x8xf32, #tpu.memory_space<hbm>>, %arg7: memref<131072x64xf32, #tpu.memory_space<hbm>>, %arg8: memref<4096xf32, #tpu.memory_space<vmem>>, %arg9: memref<4096xf32, #tpu.memory_space<vmem>>, %arg10: memref<4096xf32, #tpu.memory_space<vmem>>, %arg11: memref<4096xf32, #tpu.memory_space<vmem>>, %arg12: memref<4096xf32, #tpu.memory_space<vmem>>, %arg13: memref<4096xf32, #tpu.memory_space<vmem>>, %arg14: memref<4096xf32, #tpu.memory_space<vmem>>, %arg15: memref<128xf32, #tpu.memory_space<vmem>>, %arg16: memref<128xf32, #tpu.memory_space<vmem>>, %arg17: memref<128xf32, #tpu.memory_space<vmem>>, %arg18: memref<160xi32, #tpu.memory_space<vmem>>, %arg19: memref<32x128xi32, #tpu.memory_space<vmem>>, %arg20: memref<4096x8xf32, #tpu.memory_space<vmem>>, %arg21: memref<128x64xf32, #tpu.memory_space<vmem>>, %arg22: memref<128x64xf32, #tpu.memory_space<vmem>>, %arg23: memref<!tpu.dma_semaphore, #tpu.memory_space<semaphore_mem>>, %arg24: memref<!tpu.dma_semaphore, #tpu.memory_space<semaphore_mem>>) attributes {dimension_semantics = [#tpu.dimension_semantics<core_parallel>, #tpu.dimension_semantics<subcore_parallel>], iteration_bounds = array<i64: 2, 16>, scalar_prefetch = 0 : i64, scratch_operands = 17 : i64, tpu.core_type = #tpu.core_type<sc_vector_subcore>, window_params = [{transform_indices = #map}, {transform_indices = #map}, {transform_indices = #map1}, {transform_indices = #map1}, {transform_indices = #map1}, {transform_indices = #map1}]} {
    %mul3A = arith.constant 2 : i32
    %mul3A_0 = arith.muli %arg1, %mul3A : i32
    %add3A = arith.addi %mul3A_0, %arg0 : i32
    %jit3A = arith.constant 4 : i32
    %div3A = arith.divsi %add3A, %jit3A : i32
    %sign3A = arith.constant 0 : i32
    %sign3A_1 = arith.cmpi sgt, %add3A, %sign3A : i32
    %sign3A_2 = arith.extui %sign3A_1 : i1 to i32
    %sign3A_3 = arith.constant 0 : i32
    %sign3A_4 = arith.cmpi slt, %add3A, %sign3A_3 : i32
    %sign3A_5 = arith.extui %sign3A_4 : i1 to i32
    %sign3A_6 = arith.subi %sign3A_2, %sign3A_5 : i32
    %sign3A_7 = arith.constant 0 : i32
    %sign3A_8 = arith.cmpi sgt, %jit3A, %sign3A_7 : i32
    %sign3A_9 = arith.extui %sign3A_8 : i1 to i32
    %sign3A_10 = arith.constant 0 : i32
    %sign3A_11 = arith.cmpi slt, %jit3A, %sign3A_10 : i32
    %sign3A_12 = arith.extui %sign3A_11 : i1 to i32
    %sign3A_13 = arith.subi %sign3A_9, %sign3A_12 : i32
    %ne3A = arith.cmpi ne, %sign3A_6, %sign3A_13 : i32
    %rem3A = arith.remsi %add3A, %jit3A : i32
    %ne3A_14 = arith.constant 0 : i32
    %ne3A_15 = arith.cmpi ne, %rem3A, %ne3A_14 : i32
    %and3A = arith.andi %ne3A, %ne3A_15 : i1
    %sub3A = arith.constant 1 : i32
    %sub3A_16 = arith.subi %div3A, %sub3A : i32
    %select_n3A = arith.select %and3A, %sub3A_16, %div3A : i32
    %jit3A_17 = arith.constant 4 : i32
    %eq3A = arith.constant 0 : i32
    %eq3A_18 = arith.cmpi eq, %jit3A_17, %eq3A : i32
    %jit3A_19 = arith.constant 1 : i32
    %select_n3A_20 = arith.select %eq3A_18, %jit3A_19, %jit3A_17 : i32
    %rem3A_21 = arith.remsi %add3A, %select_n3A_20 : i32
    %ne3A_22 = arith.constant 0 : i32
    %ne3A_23 = arith.cmpi ne, %rem3A_21, %ne3A_22 : i32
    %lt3A = arith.constant 0 : i32
    %lt3A_24 = arith.cmpi slt, %rem3A_21, %lt3A : i32
    %lt3A_25 = arith.constant 0 : i32
    %lt3A_26 = arith.cmpi slt, %select_n3A_20, %lt3A_25 : i32
    %ne3A_27 = arith.xori %lt3A_24, %lt3A_26 : i1
    %and3A_28 = arith.andi %ne3A_27, %ne3A_23 : i1
    %add3A_29 = arith.addi %rem3A_21, %select_n3A_20 : i32
    %select_n3A_30 = arith.select %and3A_28, %add3A_29, %rem3A_21 : i32
    %mul3A_31 = arith.constant 128 : i32
    %mul3A_32 = arith.muli %select_n3A_30, %mul3A_31 : i32
    %mul3A_33 = arith.constant 4096 : i32
    %mul3A_34 = arith.muli %select_n3A, %mul3A_33 : i32
    %run_scoped3A = arith.constant 0 : i32
    "tpu.region"() ({
      %run_scoped3A_74 = tpu.sem_alloc : memref<!tpu.dma_semaphore, #tpu.memory_space<semaphore_mem>>
      %dma_start3A = arith.constant 0 : i32
      %dma_start3A_75 = tpu.memref_slice %arg2[%run_scoped3A, %select_n3A, %dma_start3A] : memref<3x8x4096xf32, #tpu.memory_space<hbm>> -> memref<1x1x4096xf32, #tpu.memory_space<hbm>>
      %dma_start3A_76 = tpu.memref_squeeze %dma_start3A_75 : memref<1x1x4096xf32, #tpu.memory_space<hbm>> -> memref<4096xf32, #tpu.memory_space<hbm>>
      %dma_start3A_77 = arith.constant 0 : i32
      %dma_start3A_78 = tpu.memref_slice %arg2[%run_scoped3A, %select_n3A, %dma_start3A_77] : memref<3x8x4096xf32, #tpu.memory_space<hbm>> -> memref<1x1x4096xf32, #tpu.memory_space<hbm>>
      %dma_start3A_79 = tpu.memref_squeeze %dma_start3A_78 : memref<1x1x4096xf32, #tpu.memory_space<hbm>> -> memref<4096xf32, #tpu.memory_space<hbm>>
      tpu.enqueue_dma source(%dma_start3A_79 : memref<4096xf32, #tpu.memory_space<hbm>>) target(%arg8 : memref<4096xf32, #tpu.memory_space<vmem>>) target_semaphore(%run_scoped3A_74 : memref<!tpu.dma_semaphore, #tpu.memory_space<semaphore_mem>>)
      %dma_wait3A_80 = arith.constant 0 : i32
      %dma_wait3A_81 = tpu.memref_slice %arg2[%run_scoped3A, %select_n3A, %dma_wait3A_80] : memref<3x8x4096xf32, #tpu.memory_space<hbm>> -> memref<1x1x4096xf32, #tpu.memory_space<hbm>>
      %dma_wait3A_82 = tpu.memref_squeeze %dma_wait3A_81 : memref<1x1x4096xf32, #tpu.memory_space<hbm>> -> memref<4096xf32, #tpu.memory_space<hbm>>
      %dma_wait3A_83 = arith.constant 0 : i32
      %dma_wait3A_84 = tpu.memref_slice %arg2[%run_scoped3A, %select_n3A, %dma_wait3A_83] : memref<3x8x4096xf32, #tpu.memory_space<hbm>> -> memref<1x1x4096xf32, #tpu.memory_space<hbm>>
      %dma_wait3A_85 = tpu.memref_squeeze %dma_wait3A_84 : memref<1x1x4096xf32, #tpu.memory_space<hbm>> -> memref<4096xf32, #tpu.memory_space<hbm>>
      tpu.wait_dma2 semaphore(%run_scoped3A_74 : memref<!tpu.dma_semaphore, #tpu.memory_space<semaphore_mem>>) src(%dma_wait3A_85 : memref<4096xf32, #tpu.memory_space<hbm>>) dst(%arg8 : memref<4096xf32, #tpu.memory_space<vmem>>)
      tpu.yield
    }) : () -> ()
    %run_scoped3A_35 = arith.constant 1 : i32
    "tpu.region"() ({
      %run_scoped3A_74 = tpu.sem_alloc : memref<!tpu.dma_semaphore, #tpu.memory_space<semaphore_mem>>
      %dma_start3A = arith.constant 0 : i32
      %dma_start3A_75 = tpu.memref_slice %arg2[%run_scoped3A_35, %select_n3A, %dma_start3A] : memref<3x8x4096xf32, #tpu.memory_space<hbm>> -> memref<1x1x4096xf32, #tpu.memory_space<hbm>>
      %dma_start3A_76 = tpu.memref_squeeze %dma_start3A_75 : memref<1x1x4096xf32, #tpu.memory_space<hbm>> -> memref<4096xf32, #tpu.memory_space<hbm>>
      %dma_start3A_77 = arith.constant 0 : i32
      %dma_start3A_78 = tpu.memref_slice %arg2[%run_scoped3A_35, %select_n3A, %dma_start3A_77] : memref<3x8x4096xf32, #tpu.memory_space<hbm>> -> memref<1x1x4096xf32, #tpu.memory_space<hbm>>
      %dma_start3A_79 = tpu.memref_squeeze %dma_start3A_78 : memref<1x1x4096xf32, #tpu.memory_space<hbm>> -> memref<4096xf32, #tpu.memory_space<hbm>>
      tpu.enqueue_dma source(%dma_start3A_79 : memref<4096xf32, #tpu.memory_space<hbm>>) target(%arg9 : memref<4096xf32, #tpu.memory_space<vmem>>) target_semaphore(%run_scoped3A_74 : memref<!tpu.dma_semaphore, #tpu.memory_space<semaphore_mem>>)
      %dma_wait3A_80 = arith.constant 0 : i32
      %dma_wait3A_81 = tpu.memref_slice %arg2[%run_scoped3A_35, %select_n3A, %dma_wait3A_80] : memref<3x8x4096xf32, #tpu.memory_space<hbm>> -> memref<1x1x4096xf32, #tpu.memory_space<hbm>>
      %dma_wait3A_82 = tpu.memref_squeeze %dma_wait3A_81 : memref<1x1x4096xf32, #tpu.memory_space<hbm>> -> memref<4096xf32, #tpu.memory_space<hbm>>
      %dma_wait3A_83 = arith.constant 0 : i32
      %dma_wait3A_84 = tpu.memref_slice %arg2[%run_scoped3A_35, %select_n3A, %dma_wait3A_83] : memref<3x8x4096xf32, #tpu.memory_space<hbm>> -> memref<1x1x4096xf32, #tpu.memory_space<hbm>>
      %dma_wait3A_85 = tpu.memref_squeeze %dma_wait3A_84 : memref<1x1x4096xf32, #tpu.memory_space<hbm>> -> memref<4096xf32, #tpu.memory_space<hbm>>
      tpu.wait_dma2 semaphore(%run_scoped3A_74 : memref<!tpu.dma_semaphore, #tpu.memory_space<semaphore_mem>>) src(%dma_wait3A_85 : memref<4096xf32, #tpu.memory_space<hbm>>) dst(%arg9 : memref<4096xf32, #tpu.memory_space<vmem>>)
      tpu.yield
    }) : () -> ()
    %run_scoped3A_36 = arith.constant 2 : i32
    "tpu.region"() ({
      %run_scoped3A_74 = tpu.sem_alloc : memref<!tpu.dma_semaphore, #tpu.memory_space<semaphore_mem>>
      %dma_start3A = arith.constant 0 : i32
      %dma_start3A_75 = tpu.memref_slice %arg2[%run_scoped3A_36, %select_n3A, %dma_start3A] : memref<3x8x4096xf32, #tpu.memory_space<hbm>> -> memref<1x1x4096xf32, #tpu.memory_space<hbm>>
      %dma_start3A_76 = tpu.memref_squeeze %dma_start3A_75 : memref<1x1x4096xf32, #tpu.memory_space<hbm>> -> memref<4096xf32, #tpu.memory_space<hbm>>
      %dma_start3A_77 = arith.constant 0 : i32
      %dma_start3A_78 = tpu.memref_slice %arg2[%run_scoped3A_36, %select_n3A, %dma_start3A_77] : memref<3x8x4096xf32, #tpu.memory_space<hbm>> -> memref<1x1x4096xf32, #tpu.memory_space<hbm>>
      %dma_start3A_79 = tpu.memref_squeeze %dma_start3A_78 : memref<1x1x4096xf32, #tpu.memory_space<hbm>> -> memref<4096xf32, #tpu.memory_space<hbm>>
      tpu.enqueue_dma source(%dma_start3A_79 : memref<4096xf32, #tpu.memory_space<hbm>>) target(%arg10 : memref<4096xf32, #tpu.memory_space<vmem>>) target_semaphore(%run_scoped3A_74 : memref<!tpu.dma_semaphore, #tpu.memory_space<semaphore_mem>>)
      %dma_wait3A_80 = arith.constant 0 : i32
      %dma_wait3A_81 = tpu.memref_slice %arg2[%run_scoped3A_36, %select_n3A, %dma_wait3A_80] : memref<3x8x4096xf32, #tpu.memory_space<hbm>> -> memref<1x1x4096xf32, #tpu.memory_space<hbm>>
      %dma_wait3A_82 = tpu.memref_squeeze %dma_wait3A_81 : memref<1x1x4096xf32, #tpu.memory_space<hbm>> -> memref<4096xf32, #tpu.memory_space<hbm>>
      %dma_wait3A_83 = arith.constant 0 : i32
      %dma_wait3A_84 = tpu.memref_slice %arg2[%run_scoped3A_36, %select_n3A, %dma_wait3A_83] : memref<3x8x4096xf32, #tpu.memory_space<hbm>> -> memref<1x1x4096xf32, #tpu.memory_space<hbm>>
      %dma_wait3A_85 = tpu.memref_squeeze %dma_wait3A_84 : memref<1x1x4096xf32, #tpu.memory_space<hbm>> -> memref<4096xf32, #tpu.memory_space<hbm>>
      tpu.wait_dma2 semaphore(%run_scoped3A_74 : memref<!tpu.dma_semaphore, #tpu.memory_space<semaphore_mem>>) src(%dma_wait3A_85 : memref<4096xf32, #tpu.memory_space<hbm>>) dst(%arg10 : memref<4096xf32, #tpu.memory_space<vmem>>)
      tpu.yield
    }) : () -> ()
    %run_scoped3A_37 = arith.constant 0 : i32
    "tpu.region"() ({
      %run_scoped3A_74 = tpu.sem_alloc : memref<!tpu.dma_semaphore, #tpu.memory_space<semaphore_mem>>
      %dma_start3A = tpu.memref_slice %arg3[%run_scoped3A_37, %select_n3A, %mul3A_32] : memref<3x8x512xf32, #tpu.memory_space<hbm>> -> memref<1x1x128xf32, #tpu.memory_space<hbm>>
      %dma_start3A_75 = tpu.memref_squeeze %dma_start3A : memref<1x1x128xf32, #tpu.memory_space<hbm>> -> memref<128xf32, #tpu.memory_space<hbm>>
      %dma_start3A_76 = tpu.memref_slice %arg3[%run_scoped3A_37, %select_n3A, %mul3A_32] : memref<3x8x512xf32, #tpu.memory_space<hbm>> -> memref<1x1x128xf32, #tpu.memory_space<hbm>>
      %dma_start3A_77 = tpu.memref_squeeze %dma_start3A_76 : memref<1x1x128xf32, #tpu.memory_space<hbm>> -> memref<128xf32, #tpu.memory_space<hbm>>
      tpu.enqueue_dma source(%dma_start3A_77 : memref<128xf32, #tpu.memory_space<hbm>>) target(%arg15 : memref<128xf32, #tpu.memory_space<vmem>>) target_semaphore(%run_scoped3A_74 : memref<!tpu.dma_semaphore, #tpu.memory_space<semaphore_mem>>)
      %dma_wait3A_78 = tpu.memref_slice %arg3[%run_scoped3A_37, %select_n3A, %mul3A_32] : memref<3x8x512xf32, #tpu.memory_space<hbm>> -> memref<1x1x128xf32, #tpu.memory_space<hbm>>
      %dma_wait3A_79 = tpu.memref_squeeze %dma_wait3A_78 : memref<1x1x128xf32, #tpu.memory_space<hbm>> -> memref<128xf32, #tpu.memory_space<hbm>>
      %dma_wait3A_80 = tpu.memref_slice %arg3[%run_scoped3A_37, %select_n3A, %mul3A_32] : memref<3x8x512xf32, #tpu.memory_space<hbm>> -> memref<1x1x128xf32, #tpu.memory_space<hbm>>
      %dma_wait3A_81 = tpu.memref_squeeze %dma_wait3A_80 : memref<1x1x128xf32, #tpu.memory_space<hbm>> -> memref<128xf32, #tpu.memory_space<hbm>>
      tpu.wait_dma2 semaphore(%run_scoped3A_74 : memref<!tpu.dma_semaphore, #tpu.memory_space<semaphore_mem>>) src(%dma_wait3A_81 : memref<128xf32, #tpu.memory_space<hbm>>) dst(%arg15 : memref<128xf32, #tpu.memory_space<vmem>>)
      tpu.yield
    }) : () -> ()
    %run_scoped3A_38 = arith.constant 1 : i32
    "tpu.region"() ({
      %run_scoped3A_74 = tpu.sem_alloc : memref<!tpu.dma_semaphore, #tpu.memory_space<semaphore_mem>>
      %dma_start3A = tpu.memref_slice %arg3[%run_scoped3A_38, %select_n3A, %mul3A_32] : memref<3x8x512xf32, #tpu.memory_space<hbm>> -> memref<1x1x128xf32, #tpu.memory_space<hbm>>
      %dma_start3A_75 = tpu.memref_squeeze %dma_start3A : memref<1x1x128xf32, #tpu.memory_space<hbm>> -> memref<128xf32, #tpu.memory_space<hbm>>
      %dma_start3A_76 = tpu.memref_slice %arg3[%run_scoped3A_38, %select_n3A, %mul3A_32] : memref<3x8x512xf32, #tpu.memory_space<hbm>> -> memref<1x1x128xf32, #tpu.memory_space<hbm>>
      %dma_start3A_77 = tpu.memref_squeeze %dma_start3A_76 : memref<1x1x128xf32, #tpu.memory_space<hbm>> -> memref<128xf32, #tpu.memory_space<hbm>>
      tpu.enqueue_dma source(%dma_start3A_77 : memref<128xf32, #tpu.memory_space<hbm>>) target(%arg16 : memref<128xf32, #tpu.memory_space<vmem>>) target_semaphore(%run_scoped3A_74 : memref<!tpu.dma_semaphore, #tpu.memory_space<semaphore_mem>>)
      %dma_wait3A_78 = tpu.memref_slice %arg3[%run_scoped3A_38, %select_n3A, %mul3A_32] : memref<3x8x512xf32, #tpu.memory_space<hbm>> -> memref<1x1x128xf32, #tpu.memory_space<hbm>>
      %dma_wait3A_79 = tpu.memref_squeeze %dma_wait3A_78 : memref<1x1x128xf32, #tpu.memory_space<hbm>> -> memref<128xf32, #tpu.memory_space<hbm>>
      %dma_wait3A_80 = tpu.memref_slice %arg3[%run_scoped3A_38, %select_n3A, %mul3A_32] : memref<3x8x512xf32, #tpu.memory_space<hbm>> -> memref<1x1x128xf32, #tpu.memory_space<hbm>>
      %dma_wait3A_81 = tpu.memref_squeeze %dma_wait3A_80 : memref<1x1x128xf32, #tpu.memory_space<hbm>> -> memref<128xf32, #tpu.memory_space<hbm>>
      tpu.wait_dma2 semaphore(%run_scoped3A_74 : memref<!tpu.dma_semaphore, #tpu.memory_space<semaphore_mem>>) src(%dma_wait3A_81 : memref<128xf32, #tpu.memory_space<hbm>>) dst(%arg16 : memref<128xf32, #tpu.memory_space<vmem>>)
      tpu.yield
    }) : () -> ()
    %run_scoped3A_39 = arith.constant 2 : i32
    "tpu.region"() ({
      %run_scoped3A_74 = tpu.sem_alloc : memref<!tpu.dma_semaphore, #tpu.memory_space<semaphore_mem>>
      %dma_start3A = tpu.memref_slice %arg3[%run_scoped3A_39, %select_n3A, %mul3A_32] : memref<3x8x512xf32, #tpu.memory_space<hbm>> -> memref<1x1x128xf32, #tpu.memory_space<hbm>>
      %dma_start3A_75 = tpu.memref_squeeze %dma_start3A : memref<1x1x128xf32, #tpu.memory_space<hbm>> -> memref<128xf32, #tpu.memory_space<hbm>>
      %dma_start3A_76 = tpu.memref_slice %arg3[%run_scoped3A_39, %select_n3A, %mul3A_32] : memref<3x8x512xf32, #tpu.memory_space<hbm>> -> memref<1x1x128xf32, #tpu.memory_space<hbm>>
      %dma_start3A_77 = tpu.memref_squeeze %dma_start3A_76 : memref<1x1x128xf32, #tpu.memory_space<hbm>> -> memref<128xf32, #tpu.memory_space<hbm>>
      tpu.enqueue_dma source(%dma_start3A_77 : memref<128xf32, #tpu.memory_space<hbm>>) target(%arg17 : memref<128xf32, #tpu.memory_space<vmem>>) target_semaphore(%run_scoped3A_74 : memref<!tpu.dma_semaphore, #tpu.memory_space<semaphore_mem>>)
      %dma_wait3A_78 = tpu.memref_slice %arg3[%run_scoped3A_39, %select_n3A, %mul3A_32] : memref<3x8x512xf32, #tpu.memory_space<hbm>> -> memref<1x1x128xf32, #tpu.memory_space<hbm>>
      %dma_wait3A_79 = tpu.memref_squeeze %dma_wait3A_78 : memref<1x1x128xf32, #tpu.memory_space<hbm>> -> memref<128xf32, #tpu.memory_space<hbm>>
      %dma_wait3A_80 = tpu.memref_slice %arg3[%run_scoped3A_39, %select_n3A, %mul3A_32] : memref<3x8x512xf32, #tpu.memory_space<hbm>> -> memref<1x1x128xf32, #tpu.memory_space<hbm>>
      %dma_wait3A_81 = tpu.memref_squeeze %dma_wait3A_80 : memref<1x1x128xf32, #tpu.memory_space<hbm>> -> memref<128xf32, #tpu.memory_space<hbm>>
      tpu.wait_dma2 semaphore(%run_scoped3A_74 : memref<!tpu.dma_semaphore, #tpu.memory_space<semaphore_mem>>) src(%dma_wait3A_81 : memref<128xf32, #tpu.memory_space<hbm>>) dst(%arg17 : memref<128xf32, #tpu.memory_space<vmem>>)
      tpu.yield
    }) : () -> ()
    "tpu.region"() ({
      %run_scoped3A_74 = tpu.sem_alloc : memref<!tpu.dma_semaphore, #tpu.memory_space<semaphore_mem>>
      tpu.enqueue_dma source(%arg5 : memref<4096x8xf32, #tpu.memory_space<hbm>>) target(%arg20 : memref<4096x8xf32, #tpu.memory_space<vmem>>) target_semaphore(%run_scoped3A_74 : memref<!tpu.dma_semaphore, #tpu.memory_space<semaphore_mem>>)
      tpu.wait_dma2 semaphore(%run_scoped3A_74 : memref<!tpu.dma_semaphore, #tpu.memory_space<semaphore_mem>>) src(%arg5 : memref<4096x8xf32, #tpu.memory_space<hbm>>) dst(%arg20 : memref<4096x8xf32, #tpu.memory_space<vmem>>)
      tpu.yield
    }) : () -> ()
    %scan3A = arith.constant 0 : i32
    %scan3A_40 = arith.constant 0 : i32
    %scan3A_41 = arith.constant 256 : i32
    %scan3A_42 = arith.addi %scan3A_40, %scan3A_41 : i32
    %scan3A_43 = arith.constant 1 : i32
    %scan3A_44 = scf.for %scan3A_74 = %scan3A_40 to %scan3A_42 step %scan3A_43 iter_args(%scan3A_75 = %scan3A) -> (i32)  : i32 {
      %mul3A_76 = arith.constant 16 : i32
      %mul3A_77 = arith.muli %scan3A_74, %mul3A_76 : i32
      %get3A = arith.index_cast %mul3A_77 : i32 to index
      %get3A_78 = tpu.vector_load %arg8[%get3A] {strides = array<i32>} : memref<4096xf32, #tpu.memory_space<vmem>>, vector<16xf32>,
      %get3A_79 = arith.index_cast %mul3A_77 : i32 to index
      %get3A_80 = tpu.vector_load %arg9[%get3A_79] {strides = array<i32>} : memref<4096xf32, #tpu.memory_space<vmem>>, vector<16xf32>,
      %get3A_81 = arith.index_cast %mul3A_77 : i32 to index
      %get3A_82 = tpu.vector_load %arg10[%get3A_81] {strides = array<i32>} : memref<4096xf32, #tpu.memory_space<vmem>>, vector<16xf32>,
      %mul3A_83 = arith.mulf %get3A_78, %get3A_78 : vector<16xf32>
      %mul3A_84 = arith.mulf %get3A_80, %get3A_80 : vector<16xf32>
      %add3A_85 = arith.addf %mul3A_83, %mul3A_84 : vector<16xf32>
      %mul3A_86 = arith.mulf %get3A_82, %get3A_82 : vector<16xf32>
      %add3A_87 = arith.addf %add3A_85, %mul3A_86 : vector<16xf32>
      %swap3A = arith.index_cast %mul3A_77 : i32 to index
      %swap3A_88 = tpu.vector_load %arg11[%swap3A] {strides = array<i32>} : memref<4096xf32, #tpu.memory_space<vmem>>, vector<16xf32>,
      tpu.vector_store %arg11[%swap3A], %add3A_87 {strides = array<i32>} : memref<4096xf32, #tpu.memory_space<vmem>>, vector<16xf32>,
      %bitcast3A = vector.bitcast %get3A_78 : vector<16xf32> to vector<16xi32>
      %add3A_89 = arith.constant 32767 : i32
      %add3A_90 = vector.broadcast %add3A_89 : i32 to vector<16xi32>
      %add3A_91 = arith.addi %bitcast3A, %add3A_90 : vector<16xi32>
      %shift_right_arithmetic3A = arith.constant 16 : i32
      %shift_right_arithmetic3A_92 = vector.broadcast %shift_right_arithmetic3A : i32 to vector<16xi32>
      %shift_right_arithmetic3A_93 = arith.shrsi %bitcast3A, %shift_right_arithmetic3A_92 : vector<16xi32>
      %and3A_94 = arith.constant 1 : i32
      %and3A_95 = vector.broadcast %and3A_94 : i32 to vector<16xi32>
      %and3A_96 = arith.andi %shift_right_arithmetic3A_93, %and3A_95 : vector<16xi32>
      %add3A_97 = arith.addi %add3A_91, %and3A_96 : vector<16xi32>
      %and3A_98 = arith.constant -65536 : i32
      %and3A_99 = vector.broadcast %and3A_98 : i32 to vector<16xi32>
      %and3A_100 = arith.andi %add3A_97, %and3A_99 : vector<16xi32>
      %bitcast3A_101 = vector.bitcast %and3A_100 : vector<16xi32> to vector<16xf32>
      %swap3A_102 = arith.index_cast %mul3A_77 : i32 to index
      %swap3A_103 = tpu.vector_load %arg12[%swap3A_102] {strides = array<i32>} : memref<4096xf32, #tpu.memory_space<vmem>>, vector<16xf32>,
      tpu.vector_store %arg12[%swap3A_102], %bitcast3A_101 {strides = array<i32>} : memref<4096xf32, #tpu.memory_space<vmem>>, vector<16xf32>,
      %bitcast3A_104 = vector.bitcast %get3A_80 : vector<16xf32> to vector<16xi32>
      %add3A_105 = arith.constant 32767 : i32
      %add3A_106 = vector.broadcast %add3A_105 : i32 to vector<16xi32>
      %add3A_107 = arith.addi %bitcast3A_104, %add3A_106 : vector<16xi32>
      %shift_right_arithmetic3A_108 = arith.constant 16 : i32
      %shift_right_arithmetic3A_109 = vector.broadcast %shift_right_arithmetic3A_108 : i32 to vector<16xi32>
      %shift_right_arithmetic3A_110 = arith.shrsi %bitcast3A_104, %shift_right_arithmetic3A_109 : vector<16xi32>
      %and3A_111 = arith.constant 1 : i32
      %and3A_112 = vector.broadcast %and3A_111 : i32 to vector<16xi32>
      %and3A_113 = arith.andi %shift_right_arithmetic3A_110, %and3A_112 : vector<16xi32>
      %add3A_114 = arith.addi %add3A_107, %and3A_113 : vector<16xi32>
      %and3A_115 = arith.constant -65536 : i32
      %and3A_116 = vector.broadcast %and3A_115 : i32 to vector<16xi32>
      %and3A_117 = arith.andi %add3A_114, %and3A_116 : vector<16xi32>
      %bitcast3A_118 = vector.bitcast %and3A_117 : vector<16xi32> to vector<16xf32>
      %swap3A_119 = arith.index_cast %mul3A_77 : i32 to index
      %swap3A_120 = tpu.vector_load %arg13[%swap3A_119] {strides = array<i32>} : memref<4096xf32, #tpu.memory_space<vmem>>, vector<16xf32>,
      tpu.vector_store %arg13[%swap3A_119], %bitcast3A_118 {strides = array<i32>} : memref<4096xf32, #tpu.memory_space<vmem>>, vector<16xf32>,
      %bitcast3A_121 = vector.bitcast %get3A_82 : vector<16xf32> to vector<16xi32>
      %add3A_122 = arith.constant 32767 : i32
      %add3A_123 = vector.broadcast %add3A_122 : i32 to vector<16xi32>
      %add3A_124 = arith.addi %bitcast3A_121, %add3A_123 : vector<16xi32>
      %shift_right_arithmetic3A_125 = arith.constant 16 : i32
      %shift_right_arithmetic3A_126 = vector.broadcast %shift_right_arithmetic3A_125 : i32 to vector<16xi32>
      %shift_right_arithmetic3A_127 = arith.shrsi %bitcast3A_121, %shift_right_arithmetic3A_126 : vector<16xi32>
      %and3A_128 = arith.constant 1 : i32
      %and3A_129 = vector.broadcast %and3A_128 : i32 to vector<16xi32>
      %and3A_130 = arith.andi %shift_right_arithmetic3A_127, %and3A_129 : vector<16xi32>
      %add3A_131 = arith.addi %add3A_124, %and3A_130 : vector<16xi32>
      %and3A_132 = arith.constant -65536 : i32
      %and3A_133 = vector.broadcast %and3A_132 : i32 to vector<16xi32>
      %and3A_134 = arith.andi %add3A_131, %and3A_133 : vector<16xi32>
      %bitcast3A_135 = vector.bitcast %and3A_134 : vector<16xi32> to vector<16xf32>
      %swap3A_136 = arith.index_cast %mul3A_77 : i32 to index
      %swap3A_137 = tpu.vector_load %arg14[%swap3A_136] {strides = array<i32>} : memref<4096xf32, #tpu.memory_space<vmem>>, vector<16xf32>,
      tpu.vector_store %arg14[%swap3A_136], %bitcast3A_135 {strides = array<i32>} : memref<4096xf32, #tpu.memory_space<vmem>>, vector<16xf32>,
      %scan3A_138 = arith.constant 0 : i32
      scf.yield %scan3A_138 : i32
    }
    %scan3A_45 = arith.constant 256 : i32
    %iota3A = tpu.iota {dimensions = array<i32: 0>} : vector<16xi32>
    %scan3A_46 = arith.constant 0 : i32
    %scan3A_47 = arith.constant 0 : i32
    %scan3A_48 = arith.constant 128 : i32
    %scan3A_49 = arith.addi %scan3A_47, %scan3A_48 : i32
    %scan3A_50 = arith.constant 1 : i32
    %scan3A_51 = scf.for %scan3A_74 = %scan3A_47 to %scan3A_49 step %scan3A_50 iter_args(%scan3A_75 = %scan3A_46) -> (i32)  : i32 {
      %broadcast_in_dim3A = vector.broadcast %scan3A_74 : i32 to vector<16xi32>
      %gather3A = tpu.vector_load_idx %arg15[%broadcast_in_dim3A] : memref<128xf32, #tpu.memory_space<vmem>>[vector<16xi32>], vector<16xf32>,
      %gather3A_76 = tpu.vector_load_idx %arg16[%broadcast_in_dim3A] : memref<128xf32, #tpu.memory_space<vmem>>[vector<16xi32>], vector<16xf32>,
      %gather3A_77 = tpu.vector_load_idx %arg17[%broadcast_in_dim3A] : memref<128xf32, #tpu.memory_space<vmem>>[vector<16xi32>], vector<16xf32>,
      %mul3A_78 = arith.mulf %gather3A, %gather3A : vector<16xf32>
      %mul3A_79 = arith.mulf %gather3A_76, %gather3A_76 : vector<16xf32>
      %add3A_80 = arith.addf %mul3A_78, %mul3A_79 : vector<16xf32>
      %mul3A_81 = arith.mulf %gather3A_77, %gather3A_77 : vector<16xf32>
      %add3A_82 = arith.addf %add3A_80, %mul3A_81 : vector<16xf32>
      %bitcast3A = vector.bitcast %gather3A : vector<16xf32> to vector<16xi32>
      %add3A_83 = arith.constant 32767 : i32
      %add3A_84 = vector.broadcast %add3A_83 : i32 to vector<16xi32>
      %add3A_85 = arith.addi %bitcast3A, %add3A_84 : vector<16xi32>
      %shift_right_arithmetic3A = arith.constant 16 : i32
      %shift_right_arithmetic3A_86 = vector.broadcast %shift_right_arithmetic3A : i32 to vector<16xi32>
      %shift_right_arithmetic3A_87 = arith.shrsi %bitcast3A, %shift_right_arithmetic3A_86 : vector<16xi32>
      %and3A_88 = arith.constant 1 : i32
      %and3A_89 = vector.broadcast %and3A_88 : i32 to vector<16xi32>
      %and3A_90 = arith.andi %shift_right_arithmetic3A_87, %and3A_89 : vector<16xi32>
      %add3A_91 = arith.addi %add3A_85, %and3A_90 : vector<16xi32>
      %and3A_92 = arith.constant -65536 : i32
      %and3A_93 = vector.broadcast %and3A_92 : i32 to vector<16xi32>
      %and3A_94 = arith.andi %add3A_91, %and3A_93 : vector<16xi32>
      %bitcast3A_95 = vector.bitcast %and3A_94 : vector<16xi32> to vector<16xf32>
      %bitcast3A_96 = vector.bitcast %gather3A_76 : vector<16xf32> to vector<16xi32>
      %add3A_97 = arith.constant 32767 : i32
      %add3A_98 = vector.broadcast %add3A_97 : i32 to vector<16xi32>
      %add3A_99 = arith.addi %bitcast3A_96, %add3A_98 : vector<16xi32>
      %shift_right_arithmetic3A_100 = arith.constant 16 : i32
      %shift_right_arithmetic3A_101 = vector.broadcast %shift_right_arithmetic3A_100 : i32 to vector<16xi32>
      %shift_right_arithmetic3A_102 = arith.shrsi %bitcast3A_96, %shift_right_arithmetic3A_101 : vector<16xi32>
      %and3A_103 = arith.constant 1 : i32
      %and3A_104 = vector.broadcast %and3A_103 : i32 to vector<16xi32>
      %and3A_105 = arith.andi %shift_right_arithmetic3A_102, %and3A_104 : vector<16xi32>
      %add3A_106 = arith.addi %add3A_99, %and3A_105 : vector<16xi32>
      %and3A_107 = arith.constant -65536 : i32
      %and3A_108 = vector.broadcast %and3A_107 : i32 to vector<16xi32>
      %and3A_109 = arith.andi %add3A_106, %and3A_108 : vector<16xi32>
      %bitcast3A_110 = vector.bitcast %and3A_109 : vector<16xi32> to vector<16xf32>
      %bitcast3A_111 = vector.bitcast %gather3A_77 : vector<16xf32> to vector<16xi32>
      %add3A_112 = arith.constant 32767 : i32
      %add3A_113 = vector.broadcast %add3A_112 : i32 to vector<16xi32>
      %add3A_114 = arith.addi %bitcast3A_111, %add3A_113 : vector<16xi32>
      %shift_right_arithmetic3A_115 = arith.constant 16 : i32
      %shift_right_arithmetic3A_116 = vector.broadcast %shift_right_arithmetic3A_115 : i32 to vector<16xi32>
      %shift_right_arithmetic3A_117 = arith.shrsi %bitcast3A_111, %shift_right_arithmetic3A_116 : vector<16xi32>
      %and3A_118 = arith.constant 1 : i32
      %and3A_119 = vector.broadcast %and3A_118 : i32 to vector<16xi32>
      %and3A_120 = arith.andi %shift_right_arithmetic3A_117, %and3A_119 : vector<16xi32>
      %add3A_121 = arith.addi %add3A_114, %and3A_120 : vector<16xi32>
      %and3A_122 = arith.constant -65536 : i32
      %and3A_123 = vector.broadcast %and3A_122 : i32 to vector<16xi32>
      %and3A_124 = arith.andi %add3A_121, %and3A_123 : vector<16xi32>
      %bitcast3A_125 = vector.bitcast %and3A_124 : vector<16xi32> to vector<16xf32>
      %while3A = arith.constant 0 : i32
      %while3A_126 = arith.constant 0 : i32
      %while3A_127:2 = scf.while (%while3A_258 = %while3A, %while3A_259 = %while3A_126) : (i32, i32) -> (i32, i32) {
        %lt3A_260 = arith.constant 32 : i32
        %lt3A_261 = arith.cmpi slt, %while3A_259, %lt3A_260 : i32
        %lt3A_262 = arith.constant 256 : i32
        %lt3A_263 = arith.cmpi slt, %while3A_258, %lt3A_262 : i32
        %and3A_264 = arith.andi %lt3A_261, %lt3A_263 : i1
        scf.condition(%and3A_264) %while3A_258, %while3A_259 : i32, i32
      } do {
      ^bb0(%while3A_258: i32, %while3A_259: i32):
        %add3A_260 = arith.constant 0 : i32
        %add3A_261 = arith.addi %while3A_258, %add3A_260 : i32
        %mul3A_262 = arith.constant 16 : i32
        %mul3A_263 = arith.muli %add3A_261, %mul3A_262 : i32
        %get3A_264 = arith.index_cast %mul3A_263 : i32 to index
        %get3A_265 = tpu.vector_load %arg12[%get3A_264] {strides = array<i32>} : memref<4096xf32, #tpu.memory_space<vmem>>, vector<16xf32>,
        %get3A_266 = arith.index_cast %mul3A_263 : i32 to index
        %get3A_267 = tpu.vector_load %arg13[%get3A_266] {strides = array<i32>} : memref<4096xf32, #tpu.memory_space<vmem>>, vector<16xf32>,
        %get3A_268 = arith.index_cast %mul3A_263 : i32 to index
        %get3A_269 = tpu.vector_load %arg14[%get3A_268] {strides = array<i32>} : memref<4096xf32, #tpu.memory_space<vmem>>, vector<16xf32>,
        %get3A_270 = arith.index_cast %mul3A_263 : i32 to index
        %get3A_271 = tpu.vector_load %arg11[%get3A_270] {strides = array<i32>} : memref<4096xf32, #tpu.memory_space<vmem>>, vector<16xf32>,
        %mul3A_272 = arith.mulf %bitcast3A_95, %get3A_265 : vector<16xf32>
        %mul3A_273 = arith.mulf %bitcast3A_110, %get3A_267 : vector<16xf32>
        %add3A_274 = arith.addf %mul3A_272, %mul3A_273 : vector<16xf32>
        %mul3A_275 = arith.mulf %bitcast3A_125, %get3A_269 : vector<16xf32>
        %add3A_276 = arith.addf %add3A_274, %mul3A_275 : vector<16xf32>
        %add3A_277 = arith.addf %add3A_82, %get3A_271 : vector<16xf32>
        %mul3A_278 = arith.constant 2.000000e+00 : f32
        %mul3A_279 = vector.broadcast %mul3A_278 : f32 to vector<16xf32>
        %mul3A_280 = arith.mulf %mul3A_279, %add3A_276 : vector<16xf32>
        %sub3A_281 = arith.subf %add3A_277, %mul3A_280 : vector<16xf32>
        %gt3A = arith.constant 4.000000e-02 : f32
        %gt3A_282 = vector.broadcast %gt3A : f32 to vector<16xf32>
        %gt3A_283 = arith.cmpf ogt, %sub3A_281, %gt3A_282 : vector<16xf32>
        %not3A = arith.constant dense<true> : vector<16xi1>
        %not3A_284 = arith.xori %gt3A_283, %not3A : vector<16xi1>
        %add3A_285 = arith.constant 0 : i32
        %add3A_286 = arith.addi %while3A_258, %add3A_285 : i32
        %mul3A_287 = arith.constant 16 : i32
        %mul3A_288 = arith.muli %add3A_286, %mul3A_287 : i32
        %add3A_289 = vector.broadcast %mul3A_288 : i32 to vector<16xi32>
        %add3A_290 = arith.addi %iota3A, %add3A_289 : vector<16xi32>
        %swap3A_291 = arith.index_cast %while3A_259 : i32 to index
        %swap3A_292 = tpu.vector_load %arg18[%swap3A_291] masked %not3A_284 {strides = array<i32>} : memref<160xi32, #tpu.memory_space<vmem>>, vector<16xi32>, vector<16xi1>
        tpu.vector_store %arg18[%swap3A_291], %add3A_290 masked %not3A_284 {strides = array<i32>} : memref<160xi32, #tpu.memory_space<vmem>>, vector<16xi32>, vector<16xi1>
        %all_reduce_population_count3A = tpu.all_reduce %not3A_284 {dim = 0 : i64, kind = #tpu.reduction_kind<sum>} : vector<16xi1> -> vector<16xi32>
        %slice3A = vector.extract_strided_slice %all_reduce_population_count3A {offsets = [0], sizes = [1], strides = [1]} : vector<16xi32> to vector<1xi32>
        %squeeze3A = vector.extract %slice3A[0] : i32 from vector<1xi32>
        %add3A_293 = arith.addi %while3A_259, %squeeze3A : i32
        %add3A_294 = arith.constant 1 : i32
        %add3A_295 = arith.addi %while3A_258, %add3A_294 : i32
        %mul3A_296 = arith.constant 16 : i32
        %mul3A_297 = arith.muli %add3A_295, %mul3A_296 : i32
        %get3A_298 = arith.index_cast %mul3A_297 : i32 to index
        %get3A_299 = tpu.vector_load %arg12[%get3A_298] {strides = array<i32>} : memref<4096xf32, #tpu.memory_space<vmem>>, vector<16xf32>,
        %get3A_300 = arith.index_cast %mul3A_297 : i32 to index
        %get3A_301 = tpu.vector_load %arg13[%get3A_300] {strides = array<i32>} : memref<4096xf32, #tpu.memory_space<vmem>>, vector<16xf32>,
        %get3A_302 = arith.index_cast %mul3A_297 : i32 to index
        %get3A_303 = tpu.vector_load %arg14[%get3A_302] {strides = array<i32>} : memref<4096xf32, #tpu.memory_space<vmem>>, vector<16xf32>,
        %get3A_304 = arith.index_cast %mul3A_297 : i32 to index
        %get3A_305 = tpu.vector_load %arg11[%get3A_304] {strides = array<i32>} : memref<4096xf32, #tpu.memory_space<vmem>>, vector<16xf32>,
        %mul3A_306 = arith.mulf %bitcast3A_95, %get3A_299 : vector<16xf32>
        %mul3A_307 = arith.mulf %bitcast3A_110, %get3A_301 : vector<16xf32>
        %add3A_308 = arith.addf %mul3A_306, %mul3A_307 : vector<16xf32>
        %mul3A_309 = arith.mulf %bitcast3A_125, %get3A_303 : vector<16xf32>
        %add3A_310 = arith.addf %add3A_308, %mul3A_309 : vector<16xf32>
        %add3A_311 = arith.addf %add3A_82, %get3A_305 : vector<16xf32>
        %mul3A_312 = arith.constant 2.000000e+00 : f32
        %mul3A_313 = vector.broadcast %mul3A_312 : f32 to vector<16xf32>
        %mul3A_314 = arith.mulf %mul3A_313, %add3A_310 : vector<16xf32>
        %sub3A_315 = arith.subf %add3A_311, %mul3A_314 : vector<16xf32>
        %gt3A_316 = arith.constant 4.000000e-02 : f32
        %gt3A_317 = vector.broadcast %gt3A_316 : f32 to vector<16xf32>
        %gt3A_318 = arith.cmpf ogt, %sub3A_315, %gt3A_317 : vector<16xf32>
        %not3A_319 = arith.constant dense<true> : vector<16xi1>
        %not3A_320 = arith.xori %gt3A_318, %not3A_319 : vector<16xi1>
        %add3A_321 = arith.constant 1 : i32
        %add3A_322 = arith.addi %while3A_258, %add3A_321 : i32
        %mul3A_323 = arith.constant 16 : i32
        %mul3A_324 = arith.muli %add3A_322, %mul3A_323 : i32
        %add3A_325 = vector.broadcast %mul3A_324 : i32 to vector<16xi32>
        %add3A_326 = arith.addi %iota3A, %add3A_325 : vector<16xi32>
        %swap3A_327 = arith.index_cast %add3A_293 : i32 to index
        %swap3A_328 = tpu.vector_load %arg18[%swap3A_327] masked %not3A_320 {strides = array<i32>} : memref<160xi32, #tpu.memory_space<vmem>>, vector<16xi32>, vector<16xi1>
        tpu.vector_store %arg18[%swap3A_327], %add3A_326 masked %not3A_320 {strides = array<i32>} : memref<160xi32, #tpu.memory_space<vmem>>, vector<16xi32>, vector<16xi1>
        %all_reduce_population_count3A_329 = tpu.all_reduce %not3A_320 {dim = 0 : i64, kind = #tpu.reduction_kind<sum>} : vector<16xi1> -> vector<16xi32>
        %slice3A_330 = vector.extract_strided_slice %all_reduce_population_count3A_329 {offsets = [0], sizes = [1], strides = [1]} : vector<16xi32> to vector<1xi32>
        %squeeze3A_331 = vector.extract %slice3A_330[0] : i32 from vector<1xi32>
        %add3A_332 = arith.addi %add3A_293, %squeeze3A_331 : i32
        %add3A_333 = arith.constant 2 : i32
        %add3A_334 = arith.addi %while3A_258, %add3A_333 : i32
        %mul3A_335 = arith.constant 16 : i32
        %mul3A_336 = arith.muli %add3A_334, %mul3A_335 : i32
        %get3A_337 = arith.index_cast %mul3A_336 : i32 to index
        %get3A_338 = tpu.vector_load %arg12[%get3A_337] {strides = array<i32>} : memref<4096xf32, #tpu.memory_space<vmem>>, vector<16xf32>,
        %get3A_339 = arith.index_cast %mul3A_336 : i32 to index
        %get3A_340 = tpu.vector_load %arg13[%get3A_339] {strides = array<i32>} : memref<4096xf32, #tpu.memory_space<vmem>>, vector<16xf32>,
        %get3A_341 = arith.index_cast %mul3A_336 : i32 to index
        %get3A_342 = tpu.vector_load %arg14[%get3A_341] {strides = array<i32>} : memref<4096xf32, #tpu.memory_space<vmem>>, vector<16xf32>,
        %get3A_343 = arith.index_cast %mul3A_336 : i32 to index
        %get3A_344 = tpu.vector_load %arg11[%get3A_343] {strides = array<i32>} : memref<4096xf32, #tpu.memory_space<vmem>>, vector<16xf32>,
        %mul3A_345 = arith.mulf %bitcast3A_95, %get3A_338 : vector<16xf32>
        %mul3A_346 = arith.mulf %bitcast3A_110, %get3A_340 : vector<16xf32>
        %add3A_347 = arith.addf %mul3A_345, %mul3A_346 : vector<16xf32>
        %mul3A_348 = arith.mulf %bitcast3A_125, %get3A_342 : vector<16xf32>
        %add3A_349 = arith.addf %add3A_347, %mul3A_348 : vector<16xf32>
        %add3A_350 = arith.addf %add3A_82, %get3A_344 : vector<16xf32>
        %mul3A_351 = arith.constant 2.000000e+00 : f32
        %mul3A_352 = vector.broadcast %mul3A_351 : f32 to vector<16xf32>
        %mul3A_353 = arith.mulf %mul3A_352, %add3A_349 : vector<16xf32>
        %sub3A_354 = arith.subf %add3A_350, %mul3A_353 : vector<16xf32>
        %gt3A_355 = arith.constant 4.000000e-02 : f32
        %gt3A_356 = vector.broadcast %gt3A_355 : f32 to vector<16xf32>
        %gt3A_357 = arith.cmpf ogt, %sub3A_354, %gt3A_356 : vector<16xf32>
        %not3A_358 = arith.constant dense<true> : vector<16xi1>
        %not3A_359 = arith.xori %gt3A_357, %not3A_358 : vector<16xi1>
        %add3A_360 = arith.constant 2 : i32
        %add3A_361 = arith.addi %while3A_258, %add3A_360 : i32
        %mul3A_362 = arith.constant 16 : i32
        %mul3A_363 = arith.muli %add3A_361, %mul3A_362 : i32
        %add3A_364 = vector.broadcast %mul3A_363 : i32 to vector<16xi32>
        %add3A_365 = arith.addi %iota3A, %add3A_364 : vector<16xi32>
        %swap3A_366 = arith.index_cast %add3A_332 : i32 to index
        %swap3A_367 = tpu.vector_load %arg18[%swap3A_366] masked %not3A_359 {strides = array<i32>} : memref<160xi32, #tpu.memory_space<vmem>>, vector<16xi32>, vector<16xi1>
        tpu.vector_store %arg18[%swap3A_366], %add3A_365 masked %not3A_359 {strides = array<i32>} : memref<160xi32, #tpu.memory_space<vmem>>, vector<16xi32>, vector<16xi1>
        %all_reduce_population_count3A_368 = tpu.all_reduce %not3A_359 {dim = 0 : i64, kind = #tpu.reduction_kind<sum>} : vector<16xi1> -> vector<16xi32>
        %slice3A_369 = vector.extract_strided_slice %all_reduce_population_count3A_368 {offsets = [0], sizes = [1], strides = [1]} : vector<16xi32> to vector<1xi32>
        %squeeze3A_370 = vector.extract %slice3A_369[0] : i32 from vector<1xi32>
        %add3A_371 = arith.addi %add3A_332, %squeeze3A_370 : i32
        %add3A_372 = arith.constant 3 : i32
        %add3A_373 = arith.addi %while3A_258, %add3A_372 : i32
        %mul3A_374 = arith.constant 16 : i32
        %mul3A_375 = arith.muli %add3A_373, %mul3A_374 : i32
        %get3A_376 = arith.index_cast %mul3A_375 : i32 to index
        %get3A_377 = tpu.vector_load %arg12[%get3A_376] {strides = array<i32>} : memref<4096xf32, #tpu.memory_space<vmem>>, vector<16xf32>,
        %get3A_378 = arith.index_cast %mul3A_375 : i32 to index
        %get3A_379 = tpu.vector_load %arg13[%get3A_378] {strides = array<i32>} : memref<4096xf32, #tpu.memory_space<vmem>>, vector<16xf32>,
        %get3A_380 = arith.index_cast %mul3A_375 : i32 to index
        %get3A_381 = tpu.vector_load %arg14[%get3A_380] {strides = array<i32>} : memref<4096xf32, #tpu.memory_space<vmem>>, vector<16xf32>,
        %get3A_382 = arith.index_cast %mul3A_375 : i32 to index
        %get3A_383 = tpu.vector_load %arg11[%get3A_382] {strides = array<i32>} : memref<4096xf32, #tpu.memory_space<vmem>>, vector<16xf32>,
        %mul3A_384 = arith.mulf %bitcast3A_95, %get3A_377 : vector<16xf32>
        %mul3A_385 = arith.mulf %bitcast3A_110, %get3A_379 : vector<16xf32>
        %add3A_386 = arith.addf %mul3A_384, %mul3A_385 : vector<16xf32>
        %mul3A_387 = arith.mulf %bitcast3A_125, %get3A_381 : vector<16xf32>
        %add3A_388 = arith.addf %add3A_386, %mul3A_387 : vector<16xf32>
        %add3A_389 = arith.addf %add3A_82, %get3A_383 : vector<16xf32>
        %mul3A_390 = arith.constant 2.000000e+00 : f32
        %mul3A_391 = vector.broadcast %mul3A_390 : f32 to vector<16xf32>
        %mul3A_392 = arith.mulf %mul3A_391, %add3A_388 : vector<16xf32>
        %sub3A_393 = arith.subf %add3A_389, %mul3A_392 : vector<16xf32>
        %gt3A_394 = arith.constant 4.000000e-02 : f32
        %gt3A_395 = vector.broadcast %gt3A_394 : f32 to vector<16xf32>
        %gt3A_396 = arith.cmpf ogt, %sub3A_393, %gt3A_395 : vector<16xf32>
        %not3A_397 = arith.constant dense<true> : vector<16xi1>
        %not3A_398 = arith.xori %gt3A_396, %not3A_397 : vector<16xi1>
        %add3A_399 = arith.constant 3 : i32
        %add3A_400 = arith.addi %while3A_258, %add3A_399 : i32
        %mul3A_401 = arith.constant 16 : i32
        %mul3A_402 = arith.muli %add3A_400, %mul3A_401 : i32
        %add3A_403 = vector.broadcast %mul3A_402 : i32 to vector<16xi32>
        %add3A_404 = arith.addi %iota3A, %add3A_403 : vector<16xi32>
        %swap3A_405 = arith.index_cast %add3A_371 : i32 to index
        %swap3A_406 = tpu.vector_load %arg18[%swap3A_405] masked %not3A_398 {strides = array<i32>} : memref<160xi32, #tpu.memory_space<vmem>>, vector<16xi32>, vector<16xi1>
        tpu.vector_store %arg18[%swap3A_405], %add3A_404 masked %not3A_398 {strides = array<i32>} : memref<160xi32, #tpu.memory_space<vmem>>, vector<16xi32>, vector<16xi1>
        %all_reduce_population_count3A_407 = tpu.all_reduce %not3A_398 {dim = 0 : i64, kind = #tpu.reduction_kind<sum>} : vector<16xi1> -> vector<16xi32>
        %slice3A_408 = vector.extract_strided_slice %all_reduce_population_count3A_407 {offsets = [0], sizes = [1], strides = [1]} : vector<16xi32> to vector<1xi32>
        %squeeze3A_409 = vector.extract %slice3A_408[0] : i32 from vector<1xi32>
        %add3A_410 = arith.addi %add3A_371, %squeeze3A_409 : i32
        %add3A_411 = arith.constant 4 : i32
        %add3A_412 = arith.addi %while3A_258, %add3A_411 : i32
        %mul3A_413 = arith.constant 16 : i32
        %mul3A_414 = arith.muli %add3A_412, %mul3A_413 : i32
        %get3A_415 = arith.index_cast %mul3A_414 : i32 to index
        %get3A_416 = tpu.vector_load %arg12[%get3A_415] {strides = array<i32>} : memref<4096xf32, #tpu.memory_space<vmem>>, vector<16xf32>,
        %get3A_417 = arith.index_cast %mul3A_414 : i32 to index
        %get3A_418 = tpu.vector_load %arg13[%get3A_417] {strides = array<i32>} : memref<4096xf32, #tpu.memory_space<vmem>>, vector<16xf32>,
        %get3A_419 = arith.index_cast %mul3A_414 : i32 to index
        %get3A_420 = tpu.vector_load %arg14[%get3A_419] {strides = array<i32>} : memref<4096xf32, #tpu.memory_space<vmem>>, vector<16xf32>,
        %get3A_421 = arith.index_cast %mul3A_414 : i32 to index
        %get3A_422 = tpu.vector_load %arg11[%get3A_421] {strides = array<i32>} : memref<4096xf32, #tpu.memory_space<vmem>>, vector<16xf32>,
        %mul3A_423 = arith.mulf %bitcast3A_95, %get3A_416 : vector<16xf32>
        %mul3A_424 = arith.mulf %bitcast3A_110, %get3A_418 : vector<16xf32>
        %add3A_425 = arith.addf %mul3A_423, %mul3A_424 : vector<16xf32>
        %mul3A_426 = arith.mulf %bitcast3A_125, %get3A_420 : vector<16xf32>
        %add3A_427 = arith.addf %add3A_425, %mul3A_426 : vector<16xf32>
        %add3A_428 = arith.addf %add3A_82, %get3A_422 : vector<16xf32>
        %mul3A_429 = arith.constant 2.000000e+00 : f32
        %mul3A_430 = vector.broadcast %mul3A_429 : f32 to vector<16xf32>
        %mul3A_431 = arith.mulf %mul3A_430, %add3A_427 : vector<16xf32>
        %sub3A_432 = arith.subf %add3A_428, %mul3A_431 : vector<16xf32>
        %gt3A_433 = arith.constant 4.000000e-02 : f32
        %gt3A_434 = vector.broadcast %gt3A_433 : f32 to vector<16xf32>
        %gt3A_435 = arith.cmpf ogt, %sub3A_432, %gt3A_434 : vector<16xf32>
        %not3A_436 = arith.constant dense<true> : vector<16xi1>
        %not3A_437 = arith.xori %gt3A_435, %not3A_436 : vector<16xi1>
        %add3A_438 = arith.constant 4 : i32
        %add3A_439 = arith.addi %while3A_258, %add3A_438 : i32
        %mul3A_440 = arith.constant 16 : i32
        %mul3A_441 = arith.muli %add3A_439, %mul3A_440 : i32
        %add3A_442 = vector.broadcast %mul3A_441 : i32 to vector<16xi32>
        %add3A_443 = arith.addi %iota3A, %add3A_442 : vector<16xi32>
        %swap3A_444 = arith.index_cast %add3A_410 : i32 to index
        %swap3A_445 = tpu.vector_load %arg18[%swap3A_444] masked %not3A_437 {strides = array<i32>} : memref<160xi32, #tpu.memory_space<vmem>>, vector<16xi32>, vector<16xi1>
        tpu.vector_store %arg18[%swap3A_444], %add3A_443 masked %not3A_437 {strides = array<i32>} : memref<160xi32, #tpu.memory_space<vmem>>, vector<16xi32>, vector<16xi1>
        %all_reduce_population_count3A_446 = tpu.all_reduce %not3A_437 {dim = 0 : i64, kind = #tpu.reduction_kind<sum>} : vector<16xi1> -> vector<16xi32>
        %slice3A_447 = vector.extract_strided_slice %all_reduce_population_count3A_446 {offsets = [0], sizes = [1], strides = [1]} : vector<16xi32> to vector<1xi32>
        %squeeze3A_448 = vector.extract %slice3A_447[0] : i32 from vector<1xi32>
        %add3A_449 = arith.addi %add3A_410, %squeeze3A_448 : i32
        %add3A_450 = arith.constant 5 : i32
        %add3A_451 = arith.addi %while3A_258, %add3A_450 : i32
        %mul3A_452 = arith.constant 16 : i32
        %mul3A_453 = arith.muli %add3A_451, %mul3A_452 : i32
        %get3A_454 = arith.index_cast %mul3A_453 : i32 to index
        %get3A_455 = tpu.vector_load %arg12[%get3A_454] {strides = array<i32>} : memref<4096xf32, #tpu.memory_space<vmem>>, vector<16xf32>,
        %get3A_456 = arith.index_cast %mul3A_453 : i32 to index
        %get3A_457 = tpu.vector_load %arg13[%get3A_456] {strides = array<i32>} : memref<4096xf32, #tpu.memory_space<vmem>>, vector<16xf32>,
        %get3A_458 = arith.index_cast %mul3A_453 : i32 to index
        %get3A_459 = tpu.vector_load %arg14[%get3A_458] {strides = array<i32>} : memref<4096xf32, #tpu.memory_space<vmem>>, vector<16xf32>,
        %get3A_460 = arith.index_cast %mul3A_453 : i32 to index
        %get3A_461 = tpu.vector_load %arg11[%get3A_460] {strides = array<i32>} : memref<4096xf32, #tpu.memory_space<vmem>>, vector<16xf32>,
        %mul3A_462 = arith.mulf %bitcast3A_95, %get3A_455 : vector<16xf32>
        %mul3A_463 = arith.mulf %bitcast3A_110, %get3A_457 : vector<16xf32>
        %add3A_464 = arith.addf %mul3A_462, %mul3A_463 : vector<16xf32>
        %mul3A_465 = arith.mulf %bitcast3A_125, %get3A_459 : vector<16xf32>
        %add3A_466 = arith.addf %add3A_464, %mul3A_465 : vector<16xf32>
        %add3A_467 = arith.addf %add3A_82, %get3A_461 : vector<16xf32>
        %mul3A_468 = arith.constant 2.000000e+00 : f32
        %mul3A_469 = vector.broadcast %mul3A_468 : f32 to vector<16xf32>
        %mul3A_470 = arith.mulf %mul3A_469, %add3A_466 : vector<16xf32>
        %sub3A_471 = arith.subf %add3A_467, %mul3A_470 : vector<16xf32>
        %gt3A_472 = arith.constant 4.000000e-02 : f32
        %gt3A_473 = vector.broadcast %gt3A_472 : f32 to vector<16xf32>
        %gt3A_474 = arith.cmpf ogt, %sub3A_471, %gt3A_473 : vector<16xf32>
        %not3A_475 = arith.constant dense<true> : vector<16xi1>
        %not3A_476 = arith.xori %gt3A_474, %not3A_475 : vector<16xi1>
        %add3A_477 = arith.constant 5 : i32
        %add3A_478 = arith.addi %while3A_258, %add3A_477 : i32
        %mul3A_479 = arith.constant 16 : i32
        %mul3A_480 = arith.muli %add3A_478, %mul3A_479 : i32
        %add3A_481 = vector.broadcast %mul3A_480 : i32 to vector<16xi32>
        %add3A_482 = arith.addi %iota3A, %add3A_481 : vector<16xi32>
        %swap3A_483 = arith.index_cast %add3A_449 : i32 to index
        %swap3A_484 = tpu.vector_load %arg18[%swap3A_483] masked %not3A_476 {strides = array<i32>} : memref<160xi32, #tpu.memory_space<vmem>>, vector<16xi32>, vector<16xi1>
        tpu.vector_store %arg18[%swap3A_483], %add3A_482 masked %not3A_476 {strides = array<i32>} : memref<160xi32, #tpu.memory_space<vmem>>, vector<16xi32>, vector<16xi1>
        %all_reduce_population_count3A_485 = tpu.all_reduce %not3A_476 {dim = 0 : i64, kind = #tpu.reduction_kind<sum>} : vector<16xi1> -> vector<16xi32>
        %slice3A_486 = vector.extract_strided_slice %all_reduce_population_count3A_485 {offsets = [0], sizes = [1], strides = [1]} : vector<16xi32> to vector<1xi32>
        %squeeze3A_487 = vector.extract %slice3A_486[0] : i32 from vector<1xi32>
        %add3A_488 = arith.addi %add3A_449, %squeeze3A_487 : i32
        %add3A_489 = arith.constant 6 : i32
        %add3A_490 = arith.addi %while3A_258, %add3A_489 : i32
        %mul3A_491 = arith.constant 16 : i32
        %mul3A_492 = arith.muli %add3A_490, %mul3A_491 : i32
        %get3A_493 = arith.index_cast %mul3A_492 : i32 to index
        %get3A_494 = tpu.vector_load %arg12[%get3A_493] {strides = array<i32>} : memref<4096xf32, #tpu.memory_space<vmem>>, vector<16xf32>,
        %get3A_495 = arith.index_cast %mul3A_492 : i32 to index
        %get3A_496 = tpu.vector_load %arg13[%get3A_495] {strides = array<i32>} : memref<4096xf32, #tpu.memory_space<vmem>>, vector<16xf32>,
        %get3A_497 = arith.index_cast %mul3A_492 : i32 to index
        %get3A_498 = tpu.vector_load %arg14[%get3A_497] {strides = array<i32>} : memref<4096xf32, #tpu.memory_space<vmem>>, vector<16xf32>,
        %get3A_499 = arith.index_cast %mul3A_492 : i32 to index
        %get3A_500 = tpu.vector_load %arg11[%get3A_499] {strides = array<i32>} : memref<4096xf32, #tpu.memory_space<vmem>>, vector<16xf32>,
        %mul3A_501 = arith.mulf %bitcast3A_95, %get3A_494 : vector<16xf32>
        %mul3A_502 = arith.mulf %bitcast3A_110, %get3A_496 : vector<16xf32>
        %add3A_503 = arith.addf %mul3A_501, %mul3A_502 : vector<16xf32>
        %mul3A_504 = arith.mulf %bitcast3A_125, %get3A_498 : vector<16xf32>
        %add3A_505 = arith.addf %add3A_503, %mul3A_504 : vector<16xf32>
        %add3A_506 = arith.addf %add3A_82, %get3A_500 : vector<16xf32>
        %mul3A_507 = arith.constant 2.000000e+00 : f32
        %mul3A_508 = vector.broadcast %mul3A_507 : f32 to vector<16xf32>
        %mul3A_509 = arith.mulf %mul3A_508, %add3A_505 : vector<16xf32>
        %sub3A_510 = arith.subf %add3A_506, %mul3A_509 : vector<16xf32>
        %gt3A_511 = arith.constant 4.000000e-02 : f32
        %gt3A_512 = vector.broadcast %gt3A_511 : f32 to vector<16xf32>
        %gt3A_513 = arith.cmpf ogt, %sub3A_510, %gt3A_512 : vector<16xf32>
        %not3A_514 = arith.constant dense<true> : vector<16xi1>
        %not3A_515 = arith.xori %gt3A_513, %not3A_514 : vector<16xi1>
        %add3A_516 = arith.constant 6 : i32
        %add3A_517 = arith.addi %while3A_258, %add3A_516 : i32
        %mul3A_518 = arith.constant 16 : i32
        %mul3A_519 = arith.muli %add3A_517, %mul3A_518 : i32
        %add3A_520 = vector.broadcast %mul3A_519 : i32 to vector<16xi32>
        %add3A_521 = arith.addi %iota3A, %add3A_520 : vector<16xi32>
        %swap3A_522 = arith.index_cast %add3A_488 : i32 to index
        %swap3A_523 = tpu.vector_load %arg18[%swap3A_522] masked %not3A_515 {strides = array<i32>} : memref<160xi32, #tpu.memory_space<vmem>>, vector<16xi32>, vector<16xi1>
        tpu.vector_store %arg18[%swap3A_522], %add3A_521 masked %not3A_515 {strides = array<i32>} : memref<160xi32, #tpu.memory_space<vmem>>, vector<16xi32>, vector<16xi1>
        %all_reduce_population_count3A_524 = tpu.all_reduce %not3A_515 {dim = 0 : i64, kind = #tpu.reduction_kind<sum>} : vector<16xi1> -> vector<16xi32>
        %slice3A_525 = vector.extract_strided_slice %all_reduce_population_count3A_524 {offsets = [0], sizes = [1], strides = [1]} : vector<16xi32> to vector<1xi32>
        %squeeze3A_526 = vector.extract %slice3A_525[0] : i32 from vector<1xi32>
        %add3A_527 = arith.addi %add3A_488, %squeeze3A_526 : i32
        %add3A_528 = arith.constant 7 : i32
        %add3A_529 = arith.addi %while3A_258, %add3A_528 : i32
        %mul3A_530 = arith.constant 16 : i32
        %mul3A_531 = arith.muli %add3A_529, %mul3A_530 : i32
        %get3A_532 = arith.index_cast %mul3A_531 : i32 to index
        %get3A_533 = tpu.vector_load %arg12[%get3A_532] {strides = array<i32>} : memref<4096xf32, #tpu.memory_space<vmem>>, vector<16xf32>,
        %get3A_534 = arith.index_cast %mul3A_531 : i32 to index
        %get3A_535 = tpu.vector_load %arg13[%get3A_534] {strides = array<i32>} : memref<4096xf32, #tpu.memory_space<vmem>>, vector<16xf32>,
        %get3A_536 = arith.index_cast %mul3A_531 : i32 to index
        %get3A_537 = tpu.vector_load %arg14[%get3A_536] {strides = array<i32>} : memref<4096xf32, #tpu.memory_space<vmem>>, vector<16xf32>,
        %get3A_538 = arith.index_cast %mul3A_531 : i32 to index
        %get3A_539 = tpu.vector_load %arg11[%get3A_538] {strides = array<i32>} : memref<4096xf32, #tpu.memory_space<vmem>>, vector<16xf32>,
        %mul3A_540 = arith.mulf %bitcast3A_95, %get3A_533 : vector<16xf32>
        %mul3A_541 = arith.mulf %bitcast3A_110, %get3A_535 : vector<16xf32>
        %add3A_542 = arith.addf %mul3A_540, %mul3A_541 : vector<16xf32>
        %mul3A_543 = arith.mulf %bitcast3A_125, %get3A_537 : vector<16xf32>
        %add3A_544 = arith.addf %add3A_542, %mul3A_543 : vector<16xf32>
        %add3A_545 = arith.addf %add3A_82, %get3A_539 : vector<16xf32>
        %mul3A_546 = arith.constant 2.000000e+00 : f32
        %mul3A_547 = vector.broadcast %mul3A_546 : f32 to vector<16xf32>
        %mul3A_548 = arith.mulf %mul3A_547, %add3A_544 : vector<16xf32>
        %sub3A_549 = arith.subf %add3A_545, %mul3A_548 : vector<16xf32>
        %gt3A_550 = arith.constant 4.000000e-02 : f32
        %gt3A_551 = vector.broadcast %gt3A_550 : f32 to vector<16xf32>
        %gt3A_552 = arith.cmpf ogt, %sub3A_549, %gt3A_551 : vector<16xf32>
        %not3A_553 = arith.constant dense<true> : vector<16xi1>
        %not3A_554 = arith.xori %gt3A_552, %not3A_553 : vector<16xi1>
        %add3A_555 = arith.constant 7 : i32
        %add3A_556 = arith.addi %while3A_258, %add3A_555 : i32
        %mul3A_557 = arith.constant 16 : i32
        %mul3A_558 = arith.muli %add3A_556, %mul3A_557 : i32
        %add3A_559 = vector.broadcast %mul3A_558 : i32 to vector<16xi32>
        %add3A_560 = arith.addi %iota3A, %add3A_559 : vector<16xi32>
        %swap3A_561 = arith.index_cast %add3A_527 : i32 to index
        %swap3A_562 = tpu.vector_load %arg18[%swap3A_561] masked %not3A_554 {strides = array<i32>} : memref<160xi32, #tpu.memory_space<vmem>>, vector<16xi32>, vector<16xi1>
        tpu.vector_store %arg18[%swap3A_561], %add3A_560 masked %not3A_554 {strides = array<i32>} : memref<160xi32, #tpu.memory_space<vmem>>, vector<16xi32>, vector<16xi1>
        %all_reduce_population_count3A_563 = tpu.all_reduce %not3A_554 {dim = 0 : i64, kind = #tpu.reduction_kind<sum>} : vector<16xi1> -> vector<16xi32>
        %slice3A_564 = vector.extract_strided_slice %all_reduce_population_count3A_563 {offsets = [0], sizes = [1], strides = [1]} : vector<16xi32> to vector<1xi32>
        %squeeze3A_565 = vector.extract %slice3A_564[0] : i32 from vector<1xi32>
        %add3A_566 = arith.addi %add3A_527, %squeeze3A_565 : i32
        %add3A_567 = arith.constant 8 : i32
        %add3A_568 = arith.addi %while3A_258, %add3A_567 : i32
        scf.yield %add3A_568, %add3A_566 : i32, i32
      }
      %mul3A_128 = arith.constant 0 : i32
      %mul3A_129 = vector.broadcast %mul3A_128 : i32 to vector<16xi32>
      %mul3A_130 = arith.muli %broadcast_in_dim3A, %mul3A_129 : vector<16xi32>
      %gather3A_131 = tpu.vector_load_idx %arg18[%mul3A_130] : memref<160xi32, #tpu.memory_space<vmem>>[vector<16xi32>], vector<16xi32>,
      %jit3A_132 = arith.constant 4 : i32
      %div3A_133 = arith.divsi %scan3A_74, %jit3A_132 : i32
      %sign3A_134 = arith.constant 0 : i32
      %sign3A_135 = arith.cmpi sgt, %scan3A_74, %sign3A_134 : i32
      %sign3A_136 = arith.extui %sign3A_135 : i1 to i32
      %sign3A_137 = arith.constant 0 : i32
      %sign3A_138 = arith.cmpi slt, %scan3A_74, %sign3A_137 : i32
      %sign3A_139 = arith.extui %sign3A_138 : i1 to i32
      %sign3A_140 = arith.subi %sign3A_136, %sign3A_139 : i32
      %sign3A_141 = arith.constant 0 : i32
      %sign3A_142 = arith.cmpi sgt, %jit3A_132, %sign3A_141 : i32
      %sign3A_143 = arith.extui %sign3A_142 : i1 to i32
      %sign3A_144 = arith.constant 0 : i32
      %sign3A_145 = arith.cmpi slt, %jit3A_132, %sign3A_144 : i32
      %sign3A_146 = arith.extui %sign3A_145 : i1 to i32
      %sign3A_147 = arith.subi %sign3A_143, %sign3A_146 : i32
      %ne3A_148 = arith.cmpi ne, %sign3A_140, %sign3A_147 : i32
      %rem3A_149 = arith.remsi %scan3A_74, %jit3A_132 : i32
      %ne3A_150 = arith.constant 0 : i32
      %ne3A_151 = arith.cmpi ne, %rem3A_149, %ne3A_150 : i32
      %and3A_152 = arith.andi %ne3A_148, %ne3A_151 : i1
      %sub3A_153 = arith.constant 1 : i32
      %sub3A_154 = arith.subi %div3A_133, %sub3A_153 : i32
      %select_n3A_155 = arith.select %and3A_152, %sub3A_154, %div3A_133 : i32
      %jit3A_156 = arith.constant 4 : i32
      %eq3A_157 = arith.constant 0 : i32
      %eq3A_158 = arith.cmpi eq, %jit3A_156, %eq3A_157 : i32
      %jit3A_159 = arith.constant 1 : i32
      %select_n3A_160 = arith.select %eq3A_158, %jit3A_159, %jit3A_156 : i32
      %rem3A_161 = arith.remsi %scan3A_74, %select_n3A_160 : i32
      %ne3A_162 = arith.constant 0 : i32
      %ne3A_163 = arith.cmpi ne, %rem3A_161, %ne3A_162 : i32
      %lt3A_164 = arith.constant 0 : i32
      %lt3A_165 = arith.cmpi slt, %rem3A_161, %lt3A_164 : i32
      %lt3A_166 = arith.constant 0 : i32
      %lt3A_167 = arith.cmpi slt, %select_n3A_160, %lt3A_166 : i32
      %ne3A_168 = arith.xori %lt3A_165, %lt3A_167 : i1
      %and3A_169 = arith.andi %ne3A_168, %ne3A_163 : i1
      %add3A_170 = arith.addi %rem3A_161, %select_n3A_160 : i32
      %select_n3A_171 = arith.select %and3A_169, %add3A_170, %rem3A_161 : i32
      %mul3A_172 = arith.constant 32 : i32
      %mul3A_173 = arith.muli %select_n3A_171, %mul3A_172 : i32
      %get3A = arith.constant 0 : index
      %get3A_174 = tpu.vector_load %arg18[%get3A] {strides = array<i32>} : memref<160xi32, #tpu.memory_space<vmem>>, vector<16xi32>,
      %add3A_175 = arith.constant 0 : i32
      %add3A_176 = vector.broadcast %add3A_175 : i32 to vector<16xi32>
      %add3A_177 = arith.addi %iota3A, %add3A_176 : vector<16xi32>
      %lt3A_178 = vector.broadcast %while3A_127#1 : i32 to vector<16xi32>
      %lt3A_179 = arith.cmpi slt, %add3A_177, %lt3A_178 : vector<16xi32>
      %select_n3A_180 = arith.select %lt3A_179, %get3A_174, %gather3A_131 : vector<16xi1>, vector<16xi32>
      %gather3A_181 = tpu.vector_load_idx %arg8[%select_n3A_180] : memref<4096xf32, #tpu.memory_space<vmem>>[vector<16xi32>], vector<16xf32>,
      %sub3A_182 = arith.subf %gather3A_181, %gather3A : vector<16xf32>
      %gather3A_183 = tpu.vector_load_idx %arg9[%select_n3A_180] : memref<4096xf32, #tpu.memory_space<vmem>>[vector<16xi32>], vector<16xf32>,
      %sub3A_184 = arith.subf %gather3A_183, %gather3A_76 : vector<16xf32>
      %gather3A_185 = tpu.vector_load_idx %arg10[%select_n3A_180] : memref<4096xf32, #tpu.memory_space<vmem>>[vector<16xi32>], vector<16xf32>,
      %sub3A_186 = arith.subf %gather3A_185, %gather3A_77 : vector<16xf32>
      %mul3A_187 = arith.constant 32 : i32
      %mul3A_188 = arith.muli %scan3A_74, %mul3A_187 : i32
      %add3A_189 = arith.constant 0 : i32
      %add3A_190 = arith.addi %mul3A_188, %add3A_189 : i32
      %add3A_191 = vector.broadcast %add3A_190 : i32 to vector<16xi32>
      %add3A_192 = arith.addi %iota3A, %add3A_191 : vector<16xi32>
      %broadcast_in_dim3A_193 = arith.constant 0 : i32
      %broadcast_in_dim3A_194 = vector.broadcast %broadcast_in_dim3A_193 : i32 to vector<16xi32>
      tpu.vector_store_idx %arg20[%add3A_192, %broadcast_in_dim3A_194], %sub3A_182 : memref<4096x8xf32, #tpu.memory_space<vmem>>[vector<16xi32>, vector<16xi32>], vector<16xf32>,
      %broadcast_in_dim3A_195 = arith.constant 1 : i32
      %broadcast_in_dim3A_196 = vector.broadcast %broadcast_in_dim3A_195 : i32 to vector<16xi32>
      tpu.vector_store_idx %arg20[%add3A_192, %broadcast_in_dim3A_196], %sub3A_184 : memref<4096x8xf32, #tpu.memory_space<vmem>>[vector<16xi32>, vector<16xi32>], vector<16xf32>,
      %broadcast_in_dim3A_197 = arith.constant 2 : i32
      %broadcast_in_dim3A_198 = vector.broadcast %broadcast_in_dim3A_197 : i32 to vector<16xi32>
      tpu.vector_store_idx %arg20[%add3A_192, %broadcast_in_dim3A_198], %sub3A_186 : memref<4096x8xf32, #tpu.memory_space<vmem>>[vector<16xi32>, vector<16xi32>], vector<16xf32>,
      %add3A_199 = vector.broadcast %mul3A_34 : i32 to vector<16xi32>
      %add3A_200 = arith.addi %select_n3A_180, %add3A_199 : vector<16xi32>
      %add3A_201 = arith.constant 0 : i32
      %add3A_202 = arith.addi %mul3A_173, %add3A_201 : i32
      %swap3A = arith.index_cast %select_n3A_155 : i32 to index
      %swap3A_203 = arith.index_cast %add3A_202 : i32 to index
      %swap3A_204 = tpu.vector_load %arg19[%swap3A, %swap3A_203] {strides = array<i32>} : memref<32x128xi32, #tpu.memory_space<vmem>>, vector<16xi32>,
      tpu.vector_store %arg19[%swap3A, %swap3A_203], %add3A_200 {strides = array<i32>} : memref<32x128xi32, #tpu.memory_space<vmem>>, vector<16xi32>,
      %get3A_205 = arith.constant 16 : index
      %get3A_206 = tpu.vector_load %arg18[%get3A_205] {strides = array<i32>} : memref<160xi32, #tpu.memory_space<vmem>>, vector<16xi32>,
      %add3A_207 = arith.constant 16 : i32
      %add3A_208 = vector.broadcast %add3A_207 : i32 to vector<16xi32>
      %add3A_209 = arith.addi %iota3A, %add3A_208 : vector<16xi32>
      %lt3A_210 = vector.broadcast %while3A_127#1 : i32 to vector<16xi32>
      %lt3A_211 = arith.cmpi slt, %add3A_209, %lt3A_210 : vector<16xi32>
      %select_n3A_212 = arith.select %lt3A_211, %get3A_206, %gather3A_131 : vector<16xi1>, vector<16xi32>
      %gather3A_213 = tpu.vector_load_idx %arg8[%select_n3A_212] : memref<4096xf32, #tpu.memory_space<vmem>>[vector<16xi32>], vector<16xf32>,
      %sub3A_214 = arith.subf %gather3A_213, %gather3A : vector<16xf32>
      %gather3A_215 = tpu.vector_load_idx %arg9[%select_n3A_212] : memref<4096xf32, #tpu.memory_space<vmem>>[vector<16xi32>], vector<16xf32>,
      %sub3A_216 = arith.subf %gather3A_215, %gather3A_76 : vector<16xf32>
      %gather3A_217 = tpu.vector_load_idx %arg10[%select_n3A_212] : memref<4096xf32, #tpu.memory_space<vmem>>[vector<16xi32>], vector<16xf32>,
      %sub3A_218 = arith.subf %gather3A_217, %gather3A_77 : vector<16xf32>
      %mul3A_219 = arith.constant 32 : i32
      %mul3A_220 = arith.muli %scan3A_74, %mul3A_219 : i32
      %add3A_221 = arith.constant 16 : i32
      %add3A_222 = arith.addi %mul3A_220, %add3A_221 : i32
      %add3A_223 = vector.broadcast %add3A_222 : i32 to vector<16xi32>
      %add3A_224 = arith.addi %iota3A, %add3A_223 : vector<16xi32>
      %broadcast_in_dim3A_225 = arith.constant 0 : i32
      %broadcast_in_dim3A_226 = vector.broadcast %broadcast_in_dim3A_225 : i32 to vector<16xi32>
      tpu.vector_store_idx %arg20[%add3A_224, %broadcast_in_dim3A_226], %sub3A_214 : memref<4096x8xf32, #tpu.memory_space<vmem>>[vector<16xi32>, vector<16xi32>], vector<16xf32>,
      %broadcast_in_dim3A_227 = arith.constant 1 : i32
      %broadcast_in_dim3A_228 = vector.broadcast %broadcast_in_dim3A_227 : i32 to vector<16xi32>
      tpu.vector_store_idx %arg20[%add3A_224, %broadcast_in_dim3A_228], %sub3A_216 : memref<4096x8xf32, #tpu.memory_space<vmem>>[vector<16xi32>, vector<16xi32>], vector<16xf32>,
      %broadcast_in_dim3A_229 = arith.constant 2 : i32
      %broadcast_in_dim3A_230 = vector.broadcast %broadcast_in_dim3A_229 : i32 to vector<16xi32>
      tpu.vector_store_idx %arg20[%add3A_224, %broadcast_in_dim3A_230], %sub3A_218 : memref<4096x8xf32, #tpu.memory_space<vmem>>[vector<16xi32>, vector<16xi32>], vector<16xf32>,
      %add3A_231 = vector.broadcast %mul3A_34 : i32 to vector<16xi32>
      %add3A_232 = arith.addi %select_n3A_212, %add3A_231 : vector<16xi32>
      %add3A_233 = arith.constant 16 : i32
      %add3A_234 = arith.addi %mul3A_173, %add3A_233 : i32
      %swap3A_235 = arith.index_cast %select_n3A_155 : i32 to index
      %swap3A_236 = arith.index_cast %add3A_234 : i32 to index
      %swap3A_237 = tpu.vector_load %arg19[%swap3A_235, %swap3A_236] {strides = array<i32>} : memref<32x128xi32, #tpu.memory_space<vmem>>, vector<16xi32>,
      tpu.vector_store %arg19[%swap3A_235, %swap3A_236], %add3A_232 {strides = array<i32>} : memref<32x128xi32, #tpu.memory_space<vmem>>, vector<16xi32>,
      %jit3A_238 = arith.constant 4 : i32
      %eq3A_239 = arith.constant 0 : i32
      %eq3A_240 = arith.cmpi eq, %jit3A_238, %eq3A_239 : i32
      %jit3A_241 = arith.constant 1 : i32
      %select_n3A_242 = arith.select %eq3A_240, %jit3A_241, %jit3A_238 : i32
      %rem3A_243 = arith.remsi %scan3A_74, %select_n3A_242 : i32
      %ne3A_244 = arith.constant 0 : i32
      %ne3A_245 = arith.cmpi ne, %rem3A_243, %ne3A_244 : i32
      %lt3A_246 = arith.constant 0 : i32
      %lt3A_247 = arith.cmpi slt, %rem3A_243, %lt3A_246 : i32
      %lt3A_248 = arith.constant 0 : i32
      %lt3A_249 = arith.cmpi slt, %select_n3A_242, %lt3A_248 : i32
      %ne3A_250 = arith.xori %lt3A_247, %lt3A_249 : i1
      %and3A_251 = arith.andi %ne3A_250, %ne3A_245 : i1
      %add3A_252 = arith.addi %rem3A_243, %select_n3A_242 : i32
      %select_n3A_253 = arith.select %and3A_251, %add3A_252, %rem3A_243 : i32
      %eq3A_254 = arith.constant 3 : i32
      %eq3A_255 = arith.cmpi eq, %select_n3A_253, %eq3A_254 : i32
      %convert_element_type3A = arith.extui %eq3A_255 : i1 to i32
      %cond3A = arith.constant 0 : i32
      %cond3A_256 = arith.cmpi ne, %convert_element_type3A, %cond3A : i32
      scf.if %cond3A_256 {
        %jit3A_258 = arith.constant 4 : i32
        %div3A_259 = arith.divsi %scan3A_74, %jit3A_258 : i32
        %sign3A_260 = arith.constant 0 : i32
        %sign3A_261 = arith.cmpi sgt, %scan3A_74, %sign3A_260 : i32
        %sign3A_262 = arith.extui %sign3A_261 : i1 to i32
        %sign3A_263 = arith.constant 0 : i32
        %sign3A_264 = arith.cmpi slt, %scan3A_74, %sign3A_263 : i32
        %sign3A_265 = arith.extui %sign3A_264 : i1 to i32
        %sign3A_266 = arith.subi %sign3A_262, %sign3A_265 : i32
        %sign3A_267 = arith.constant 0 : i32
        %sign3A_268 = arith.cmpi sgt, %jit3A_258, %sign3A_267 : i32
        %sign3A_269 = arith.extui %sign3A_268 : i1 to i32
        %sign3A_270 = arith.constant 0 : i32
        %sign3A_271 = arith.cmpi slt, %jit3A_258, %sign3A_270 : i32
        %sign3A_272 = arith.extui %sign3A_271 : i1 to i32
        %sign3A_273 = arith.subi %sign3A_269, %sign3A_272 : i32
        %ne3A_274 = arith.cmpi ne, %sign3A_266, %sign3A_273 : i32
        %rem3A_275 = arith.remsi %scan3A_74, %jit3A_258 : i32
        %ne3A_276 = arith.constant 0 : i32
        %ne3A_277 = arith.cmpi ne, %rem3A_275, %ne3A_276 : i32
        %and3A_278 = arith.andi %ne3A_274, %ne3A_277 : i1
        %sub3A_279 = arith.constant 1 : i32
        %sub3A_280 = arith.subi %div3A_259, %sub3A_279 : i32
        %select_n3A_281 = arith.select %and3A_278, %sub3A_280, %div3A_259 : i32
        %jit3A_282 = arith.constant 2 : i32
        %eq3A_283 = arith.constant 0 : i32
        %eq3A_284 = arith.cmpi eq, %jit3A_282, %eq3A_283 : i32
        %jit3A_285 = arith.constant 1 : i32
        %select_n3A_286 = arith.select %eq3A_284, %jit3A_285, %jit3A_282 : i32
        %rem3A_287 = arith.remsi %select_n3A_281, %select_n3A_286 : i32
        %ne3A_288 = arith.constant 0 : i32
        %ne3A_289 = arith.cmpi ne, %rem3A_287, %ne3A_288 : i32
        %lt3A_290 = arith.constant 0 : i32
        %lt3A_291 = arith.cmpi slt, %rem3A_287, %lt3A_290 : i32
        %lt3A_292 = arith.constant 0 : i32
        %lt3A_293 = arith.cmpi slt, %select_n3A_286, %lt3A_292 : i32
        %ne3A_294 = arith.xori %lt3A_291, %lt3A_293 : i1
        %and3A_295 = arith.andi %ne3A_294, %ne3A_289 : i1
        %add3A_296 = arith.addi %rem3A_287, %select_n3A_286 : i32
        %select_n3A_297 = arith.select %and3A_295, %add3A_296, %rem3A_287 : i32
        %eq3A_298 = arith.constant 0 : i32
        %eq3A_299 = arith.cmpi eq, %select_n3A_297, %eq3A_298 : i32
        %convert_element_type3A_300 = arith.extui %eq3A_299 : i1 to i32
        %cond3A_301 = arith.constant 0 : i32
        %cond3A_302 = arith.cmpi ne, %convert_element_type3A_300, %cond3A_301 : i32
        scf.if %cond3A_302 {
          %ge3A = arith.constant 2 : i32
          %ge3A_324 = arith.cmpi sge, %select_n3A_281, %ge3A : i32
          %convert_element_type3A_325 = arith.extui %ge3A_324 : i1 to i32
          %cond3A_326 = arith.constant 0 : i32
          %cond3A_327 = arith.cmpi ne, %convert_element_type3A_325, %cond3A_326 : i32
          scf.if %cond3A_327 {
            %sub3A_333 = arith.constant 2 : i32
            %sub3A_334 = arith.subi %select_n3A_281, %sub3A_333 : i32
            %dma_wait3A_335 = arith.constant 0 : i32
            %dma_wait3A_336 = arith.constant 0 : i32
            %dma_wait3A_337 = tpu.memref_slice %arg7[%dma_wait3A_335, %dma_wait3A_336] : memref<131072x64xf32, #tpu.memory_space<hbm>> -> memref<128x64xf32, #tpu.memory_space<hbm>>
            %dma_wait3A_338 = arith.constant 0 : i32
            %dma_wait3A_339 = arith.constant 0 : i32
            %dma_wait3A_340 = tpu.memref_slice %arg7[%dma_wait3A_338, %dma_wait3A_339] : memref<131072x64xf32, #tpu.memory_space<hbm>> -> memref<128x64xf32, #tpu.memory_space<hbm>>
            tpu.wait_dma2 semaphore(%arg23 : memref<!tpu.dma_semaphore, #tpu.memory_space<semaphore_mem>>) src(%dma_wait3A_340 : memref<128x64xf32, #tpu.memory_space<hbm>>) dst(%arg21 : memref<128x64xf32, #tpu.memory_space<vmem>>)
            %mul3A_341 = arith.constant 4096 : i32
            %mul3A_342 = arith.muli %add3A, %mul3A_341 : i32
            %mul3A_343 = arith.constant 128 : i32
            %mul3A_344 = arith.muli %sub3A_334, %mul3A_343 : i32
            %add3A_345 = arith.addi %mul3A_342, %mul3A_344 : i32
            "tpu.region"() ({
              %run_scoped3A_346 = tpu.sem_alloc : memref<!tpu.dma_semaphore, #tpu.memory_space<semaphore_mem>>
              %dma_start3A_347 = arith.constant 0 : i32
              %dma_start3A_348 = tpu.memref_slice %arg7[%add3A_345, %dma_start3A_347] : memref<131072x64xf32, #tpu.memory_space<hbm>> -> memref<128x64xf32, #tpu.memory_space<hbm>>
              %dma_start3A_349 = arith.constant 0 : i32
              %dma_start3A_350 = tpu.memref_slice %arg7[%add3A_345, %dma_start3A_349] : memref<131072x64xf32, #tpu.memory_space<hbm>> -> memref<128x64xf32, #tpu.memory_space<hbm>>
              tpu.enqueue_dma source(%arg21 : memref<128x64xf32, #tpu.memory_space<vmem>>) target(%dma_start3A_350 : memref<128x64xf32, #tpu.memory_space<hbm>>) target_semaphore(%run_scoped3A_346 : memref<!tpu.dma_semaphore, #tpu.memory_space<semaphore_mem>>)
              %dma_wait3A_351 = arith.constant 0 : i32
              %dma_wait3A_352 = tpu.memref_slice %arg7[%add3A_345, %dma_wait3A_351] : memref<131072x64xf32, #tpu.memory_space<hbm>> -> memref<128x64xf32, #tpu.memory_space<hbm>>
              %dma_wait3A_353 = arith.constant 0 : i32
              %dma_wait3A_354 = tpu.memref_slice %arg7[%add3A_345, %dma_wait3A_353] : memref<131072x64xf32, #tpu.memory_space<hbm>> -> memref<128x64xf32, #tpu.memory_space<hbm>>
              tpu.wait_dma2 semaphore(%run_scoped3A_346 : memref<!tpu.dma_semaphore, #tpu.memory_space<semaphore_mem>>) src(%arg21 : memref<128x64xf32, #tpu.memory_space<vmem>>) dst(%dma_wait3A_354 : memref<128x64xf32, #tpu.memory_space<hbm>>)
              tpu.yield
            }) : () -> ()
          } else {
          }
          %dma_start3A = arith.constant 0 : i32
          %dma_start3A_328 = tpu.memref_slice %arg19[%select_n3A_281, %dma_start3A] : memref<32x128xi32, #tpu.memory_space<vmem>> -> memref<1x128xi32, #tpu.memory_space<vmem>>
          %dma_start3A_329 = tpu.memref_squeeze %dma_start3A_328 : memref<1x128xi32, #tpu.memory_space<vmem>> -> memref<128xi32, #tpu.memory_space<vmem>>
          %dma_start3A_330 = arith.constant 0 : i32
          %dma_start3A_331 = arith.constant 0 : i32
          %dma_start3A_332 = tpu.memref_slice %arg4[%dma_start3A_330, %dma_start3A_331] : memref<32768x64xf32, #tpu.memory_space<hbm>> -> memref<32768x64xf32, #tpu.memory_space<hbm>>
          tpu.enqueue_indirect_dma source(%dma_start3A_332 : memref<32768x64xf32, #tpu.memory_space<hbm>>) target(%arg21 : memref<128x64xf32, #tpu.memory_space<vmem>>) offsets(%dma_start3A_329 : memref<128xi32, #tpu.memory_space<vmem>>) semaphore(%arg23 : memref<!tpu.dma_semaphore, #tpu.memory_space<semaphore_mem>>)
        } else {
        }
        %jit3A_303 = arith.constant 2 : i32
        %eq3A_304 = arith.constant 0 : i32
        %eq3A_305 = arith.cmpi eq, %jit3A_303, %eq3A_304 : i32
        %jit3A_306 = arith.constant 1 : i32
        %select_n3A_307 = arith.select %eq3A_305, %jit3A_306, %jit3A_303 : i32
        %rem3A_308 = arith.remsi %select_n3A_281, %select_n3A_307 : i32
        %ne3A_309 = arith.constant 0 : i32
        %ne3A_310 = arith.cmpi ne, %rem3A_308, %ne3A_309 : i32
        %lt3A_311 = arith.constant 0 : i32
        %lt3A_312 = arith.cmpi slt, %rem3A_308, %lt3A_311 : i32
        %lt3A_313 = arith.constant 0 : i32
        %lt3A_314 = arith.cmpi slt, %select_n3A_307, %lt3A_313 : i32
        %ne3A_315 = arith.xori %lt3A_312, %lt3A_314 : i1
        %and3A_316 = arith.andi %ne3A_315, %ne3A_310 : i1
        %add3A_317 = arith.addi %rem3A_308, %select_n3A_307 : i32
        %select_n3A_318 = arith.select %and3A_316, %add3A_317, %rem3A_308 : i32
        %eq3A_319 = arith.constant 1 : i32
        %eq3A_320 = arith.cmpi eq, %select_n3A_318, %eq3A_319 : i32
        %convert_element_type3A_321 = arith.extui %eq3A_320 : i1 to i32
        %cond3A_322 = arith.constant 0 : i32
        %cond3A_323 = arith.cmpi ne, %convert_element_type3A_321, %cond3A_322 : i32
        scf.if %cond3A_323 {
          %ge3A = arith.constant 2 : i32
          %ge3A_324 = arith.cmpi sge, %select_n3A_281, %ge3A : i32
          %convert_element_type3A_325 = arith.extui %ge3A_324 : i1 to i32
          %cond3A_326 = arith.constant 0 : i32
          %cond3A_327 = arith.cmpi ne, %convert_element_type3A_325, %cond3A_326 : i32
          scf.if %cond3A_327 {
            %sub3A_333 = arith.constant 2 : i32
            %sub3A_334 = arith.subi %select_n3A_281, %sub3A_333 : i32
            %dma_wait3A_335 = arith.constant 0 : i32
            %dma_wait3A_336 = arith.constant 0 : i32
            %dma_wait3A_337 = tpu.memref_slice %arg7[%dma_wait3A_335, %dma_wait3A_336] : memref<131072x64xf32, #tpu.memory_space<hbm>> -> memref<128x64xf32, #tpu.memory_space<hbm>>
            %dma_wait3A_338 = arith.constant 0 : i32
            %dma_wait3A_339 = arith.constant 0 : i32
            %dma_wait3A_340 = tpu.memref_slice %arg7[%dma_wait3A_338, %dma_wait3A_339] : memref<131072x64xf32, #tpu.memory_space<hbm>> -> memref<128x64xf32, #tpu.memory_space<hbm>>
            tpu.wait_dma2 semaphore(%arg24 : memref<!tpu.dma_semaphore, #tpu.memory_space<semaphore_mem>>) src(%dma_wait3A_340 : memref<128x64xf32, #tpu.memory_space<hbm>>) dst(%arg22 : memref<128x64xf32, #tpu.memory_space<vmem>>)
            %mul3A_341 = arith.constant 4096 : i32
            %mul3A_342 = arith.muli %add3A, %mul3A_341 : i32
            %mul3A_343 = arith.constant 128 : i32
            %mul3A_344 = arith.muli %sub3A_334, %mul3A_343 : i32
            %add3A_345 = arith.addi %mul3A_342, %mul3A_344 : i32
            "tpu.region"() ({
              %run_scoped3A_346 = tpu.sem_alloc : memref<!tpu.dma_semaphore, #tpu.memory_space<semaphore_mem>>
              %dma_start3A_347 = arith.constant 0 : i32
              %dma_start3A_348 = tpu.memref_slice %arg7[%add3A_345, %dma_start3A_347] : memref<131072x64xf32, #tpu.memory_space<hbm>> -> memref<128x64xf32, #tpu.memory_space<hbm>>
              %dma_start3A_349 = arith.constant 0 : i32
              %dma_start3A_350 = tpu.memref_slice %arg7[%add3A_345, %dma_start3A_349] : memref<131072x64xf32, #tpu.memory_space<hbm>> -> memref<128x64xf32, #tpu.memory_space<hbm>>
              tpu.enqueue_dma source(%arg22 : memref<128x64xf32, #tpu.memory_space<vmem>>) target(%dma_start3A_350 : memref<128x64xf32, #tpu.memory_space<hbm>>) target_semaphore(%run_scoped3A_346 : memref<!tpu.dma_semaphore, #tpu.memory_space<semaphore_mem>>)
              %dma_wait3A_351 = arith.constant 0 : i32
              %dma_wait3A_352 = tpu.memref_slice %arg7[%add3A_345, %dma_wait3A_351] : memref<131072x64xf32, #tpu.memory_space<hbm>> -> memref<128x64xf32, #tpu.memory_space<hbm>>
              %dma_wait3A_353 = arith.constant 0 : i32
              %dma_wait3A_354 = tpu.memref_slice %arg7[%add3A_345, %dma_wait3A_353] : memref<131072x64xf32, #tpu.memory_space<hbm>> -> memref<128x64xf32, #tpu.memory_space<hbm>>
              tpu.wait_dma2 semaphore(%run_scoped3A_346 : memref<!tpu.dma_semaphore, #tpu.memory_space<semaphore_mem>>) src(%arg22 : memref<128x64xf32, #tpu.memory_space<vmem>>) dst(%dma_wait3A_354 : memref<128x64xf32, #tpu.memory_space<hbm>>)
              tpu.yield
            }) : () -> ()
          } else {
          }
          %dma_start3A = arith.constant 0 : i32
          %dma_start3A_328 = tpu.memref_slice %arg19[%select_n3A_281, %dma_start3A] : memref<32x128xi32, #tpu.memory_space<vmem>> -> memref<1x128xi32, #tpu.memory_space<vmem>>
          %dma_start3A_329 = tpu.memref_squeeze %dma_start3A_328 : memref<1x128xi32, #tpu.memory_space<vmem>> -> memref<128xi32, #tpu.memory_space<vmem>>
          %dma_start3A_330 = arith.constant 0 : i32
          %dma_start3A_331 = arith.constant 0 : i32
          %dma_start3A_332 = tpu.memref_slice %arg4[%dma_start3A_330, %dma_start3A_331] : memref<32768x64xf32, #tpu.memory_space<hbm>> -> memref<32768x64xf32, #tpu.memory_space<hbm>>
          tpu.enqueue_indirect_dma source(%dma_start3A_332 : memref<32768x64xf32, #tpu.memory_space<hbm>>) target(%arg22 : memref<128x64xf32, #tpu.memory_space<vmem>>) offsets(%dma_start3A_329 : memref<128xi32, #tpu.memory_space<vmem>>) semaphore(%arg24 : memref<!tpu.dma_semaphore, #tpu.memory_space<semaphore_mem>>)
        } else {
        }
      } else {
      }
      %scan3A_257 = arith.constant 0 : i32
      scf.yield %scan3A_257 : i32
    }
    %scan3A_52 = arith.constant 128 : i32
    %dma_wait3A = arith.constant 0 : i32
    %dma_wait3A_53 = arith.constant 0 : i32
    %dma_wait3A_54 = tpu.memref_slice %arg7[%dma_wait3A, %dma_wait3A_53] : memref<131072x64xf32, #tpu.memory_space<hbm>> -> memref<128x64xf32, #tpu.memory_space<hbm>>
    %dma_wait3A_55 = arith.constant 0 : i32
    %dma_wait3A_56 = arith.constant 0 : i32
    %dma_wait3A_57 = tpu.memref_slice %arg7[%dma_wait3A_55, %dma_wait3A_56] : memref<131072x64xf32, #tpu.memory_space<hbm>> -> memref<128x64xf32, #tpu.memory_space<hbm>>
    tpu.wait_dma2 semaphore(%arg23 : memref<!tpu.dma_semaphore, #tpu.memory_space<semaphore_mem>>) src(%dma_wait3A_57 : memref<128x64xf32, #tpu.memory_space<hbm>>) dst(%arg21 : memref<128x64xf32, #tpu.memory_space<vmem>>)
    %mul3A_58 = arith.constant 4096 : i32
    %mul3A_59 = arith.muli %add3A, %mul3A_58 : i32
    %add3A_60 = arith.constant 3840 : i32
    %add3A_61 = arith.addi %mul3A_59, %add3A_60 : i32
    "tpu.region"() ({
      %run_scoped3A_74 = tpu.sem_alloc : memref<!tpu.dma_semaphore, #tpu.memory_space<semaphore_mem>>
      %dma_start3A = arith.constant 0 : i32
      %dma_start3A_75 = tpu.memref_slice %arg7[%add3A_61, %dma_start3A] : memref<131072x64xf32, #tpu.memory_space<hbm>> -> memref<128x64xf32, #tpu.memory_space<hbm>>
      %dma_start3A_76 = arith.constant 0 : i32
      %dma_start3A_77 = tpu.memref_slice %arg7[%add3A_61, %dma_start3A_76] : memref<131072x64xf32, #tpu.memory_space<hbm>> -> memref<128x64xf32, #tpu.memory_space<hbm>>
      tpu.enqueue_dma source(%arg21 : memref<128x64xf32, #tpu.memory_space<vmem>>) target(%dma_start3A_77 : memref<128x64xf32, #tpu.memory_space<hbm>>) target_semaphore(%run_scoped3A_74 : memref<!tpu.dma_semaphore, #tpu.memory_space<semaphore_mem>>)
      %dma_wait3A_78 = arith.constant 0 : i32
      %dma_wait3A_79 = tpu.memref_slice %arg7[%add3A_61, %dma_wait3A_78] : memref<131072x64xf32, #tpu.memory_space<hbm>> -> memref<128x64xf32, #tpu.memory_space<hbm>>
      %dma_wait3A_80 = arith.constant 0 : i32
      %dma_wait3A_81 = tpu.memref_slice %arg7[%add3A_61, %dma_wait3A_80] : memref<131072x64xf32, #tpu.memory_space<hbm>> -> memref<128x64xf32, #tpu.memory_space<hbm>>
      tpu.wait_dma2 semaphore(%run_scoped3A_74 : memref<!tpu.dma_semaphore, #tpu.memory_space<semaphore_mem>>) src(%arg21 : memref<128x64xf32, #tpu.memory_space<vmem>>) dst(%dma_wait3A_81 : memref<128x64xf32, #tpu.memory_space<hbm>>)
      tpu.yield
    }) : () -> ()
    %dma_wait3A_62 = arith.constant 0 : i32
    %dma_wait3A_63 = arith.constant 0 : i32
    %dma_wait3A_64 = tpu.memref_slice %arg7[%dma_wait3A_62, %dma_wait3A_63] : memref<131072x64xf32, #tpu.memory_space<hbm>> -> memref<128x64xf32, #tpu.memory_space<hbm>>
    %dma_wait3A_65 = arith.constant 0 : i32
    %dma_wait3A_66 = arith.constant 0 : i32
    %dma_wait3A_67 = tpu.memref_slice %arg7[%dma_wait3A_65, %dma_wait3A_66] : memref<131072x64xf32, #tpu.memory_space<hbm>> -> memref<128x64xf32, #tpu.memory_space<hbm>>
    tpu.wait_dma2 semaphore(%arg24 : memref<!tpu.dma_semaphore, #tpu.memory_space<semaphore_mem>>) src(%dma_wait3A_67 : memref<128x64xf32, #tpu.memory_space<hbm>>) dst(%arg22 : memref<128x64xf32, #tpu.memory_space<vmem>>)
    %mul3A_68 = arith.constant 4096 : i32
    %mul3A_69 = arith.muli %add3A, %mul3A_68 : i32
    %add3A_70 = arith.constant 3968 : i32
    %add3A_71 = arith.addi %mul3A_69, %add3A_70 : i32
    "tpu.region"() ({
      %run_scoped3A_74 = tpu.sem_alloc : memref<!tpu.dma_semaphore, #tpu.memory_space<semaphore_mem>>
      %dma_start3A = arith.constant 0 : i32
      %dma_start3A_75 = tpu.memref_slice %arg7[%add3A_71, %dma_start3A] : memref<131072x64xf32, #tpu.memory_space<hbm>> -> memref<128x64xf32, #tpu.memory_space<hbm>>
      %dma_start3A_76 = arith.constant 0 : i32
      %dma_start3A_77 = tpu.memref_slice %arg7[%add3A_71, %dma_start3A_76] : memref<131072x64xf32, #tpu.memory_space<hbm>> -> memref<128x64xf32, #tpu.memory_space<hbm>>
      tpu.enqueue_dma source(%arg22 : memref<128x64xf32, #tpu.memory_space<vmem>>) target(%dma_start3A_77 : memref<128x64xf32, #tpu.memory_space<hbm>>) target_semaphore(%run_scoped3A_74 : memref<!tpu.dma_semaphore, #tpu.memory_space<semaphore_mem>>)
      %dma_wait3A_78 = arith.constant 0 : i32
      %dma_wait3A_79 = tpu.memref_slice %arg7[%add3A_71, %dma_wait3A_78] : memref<131072x64xf32, #tpu.memory_space<hbm>> -> memref<128x64xf32, #tpu.memory_space<hbm>>
      %dma_wait3A_80 = arith.constant 0 : i32
      %dma_wait3A_81 = tpu.memref_slice %arg7[%add3A_71, %dma_wait3A_80] : memref<131072x64xf32, #tpu.memory_space<hbm>> -> memref<128x64xf32, #tpu.memory_space<hbm>>
      tpu.wait_dma2 semaphore(%run_scoped3A_74 : memref<!tpu.dma_semaphore, #tpu.memory_space<semaphore_mem>>) src(%arg22 : memref<128x64xf32, #tpu.memory_space<vmem>>) dst(%dma_wait3A_81 : memref<128x64xf32, #tpu.memory_space<hbm>>)
      tpu.yield
    }) : () -> ()
    %mul3A_72 = arith.constant 4096 : i32
    %mul3A_73 = arith.muli %add3A, %mul3A_72 : i32
    "tpu.region"() ({
      %run_scoped3A_74 = tpu.sem_alloc : memref<!tpu.dma_semaphore, #tpu.memory_space<semaphore_mem>>
      %dma_start3A = arith.constant 0 : i32
      %dma_start3A_75 = tpu.memref_slice %arg6[%mul3A_73, %dma_start3A] : memref<131072x8xf32, #tpu.memory_space<hbm>> -> memref<4096x8xf32, #tpu.memory_space<hbm>>
      %dma_start3A_76 = arith.constant 0 : i32
      %dma_start3A_77 = tpu.memref_slice %arg6[%mul3A_73, %dma_start3A_76] : memref<131072x8xf32, #tpu.memory_space<hbm>> -> memref<4096x8xf32, #tpu.memory_space<hbm>>
      tpu.enqueue_dma source(%arg20 : memref<4096x8xf32, #tpu.memory_space<vmem>>) target(%dma_start3A_77 : memref<4096x8xf32, #tpu.memory_space<hbm>>) target_semaphore(%run_scoped3A_74 : memref<!tpu.dma_semaphore, #tpu.memory_space<semaphore_mem>>)
      %dma_wait3A_78 = arith.constant 0 : i32
      %dma_wait3A_79 = tpu.memref_slice %arg6[%mul3A_73, %dma_wait3A_78] : memref<131072x8xf32, #tpu.memory_space<hbm>> -> memref<4096x8xf32, #tpu.memory_space<hbm>>
      %dma_wait3A_80 = arith.constant 0 : i32
      %dma_wait3A_81 = tpu.memref_slice %arg6[%mul3A_73, %dma_wait3A_80] : memref<131072x8xf32, #tpu.memory_space<hbm>> -> memref<4096x8xf32, #tpu.memory_space<hbm>>
      tpu.wait_dma2 semaphore(%run_scoped3A_74 : memref<!tpu.dma_semaphore, #tpu.memory_space<semaphore_mem>>) src(%arg20 : memref<4096x8xf32, #tpu.memory_space<vmem>>) dst(%dma_wait3A_81 : memref<4096x8xf32, #tpu.memory_space<hbm>>)
      tpu.yield
    }) : () -> ()
    return
  }
}

module attributes {stable_mosaic.version = 14 : i64} {
  func.func @_fps_body(%arg0: memref<3x8x4096xf32, #tpu.memory_space<vmem>>, %arg1: memref<8x1xi32, #tpu.memory_space<vmem>>, %arg2: memref<512x3x8xf32, #tpu.memory_space<vmem>>, %arg3: memref<8x4096xf32, #tpu.memory_space<vmem>>) attributes {dimension_semantics = [], scalar_prefetch = 0 : i64, scratch_operands = 1 : i64, tpu.core_type = #tpu.core_type<tc>} {
    %get3A = arith.constant 0 : index
    %get3A_0 = arith.constant 0 : index
    %get3A_1 = arith.constant 0 : index
    %get3A_2 = vector.load %arg0[%get3A, %get3A_0, %get3A_1] : memref<3x8x4096xf32, #tpu.memory_space<vmem>>, vector<1x8x4096xf32>
    %get3A_3 = vector.shape_cast %get3A_2 : vector<1x8x4096xf32> to vector<8x4096xf32>
    %get3A_4 = arith.constant 1 : index
    %get3A_5 = arith.constant 0 : index
    %get3A_6 = arith.constant 0 : index
    %get3A_7 = vector.load %arg0[%get3A_4, %get3A_5, %get3A_6] : memref<3x8x4096xf32, #tpu.memory_space<vmem>>, vector<1x8x4096xf32>
    %get3A_8 = vector.shape_cast %get3A_7 : vector<1x8x4096xf32> to vector<8x4096xf32>
    %get3A_9 = arith.constant 2 : index
    %get3A_10 = arith.constant 0 : index
    %get3A_11 = arith.constant 0 : index
    %get3A_12 = vector.load %arg0[%get3A_9, %get3A_10, %get3A_11] : memref<3x8x4096xf32, #tpu.memory_space<vmem>>, vector<1x8x4096xf32>
    %get3A_13 = vector.shape_cast %get3A_12 : vector<1x8x4096xf32> to vector<8x4096xf32>
    %iota3A = tpu.iota {dimensions = array<i32: 1>} : vector<8x4096xi32>
    %broadcast_in_dim3A = arith.constant 1.000000e+10 : f32
    %broadcast_in_dim3A_14 = vector.broadcast %broadcast_in_dim3A : f32 to vector<8x4096xf32>
    %swap3A = arith.constant 0 : index
    %swap3A_15 = arith.constant 0 : index
    %swap3A_16 = vector.load %arg3[%swap3A, %swap3A_15] : memref<8x4096xf32, #tpu.memory_space<vmem>>, vector<8x4096xf32>
    tpu.vector_store %arg3[%swap3A, %swap3A_15], %broadcast_in_dim3A_14 {strides = array<i32>} : memref<8x4096xf32, #tpu.memory_space<vmem>>, vector<8x4096xf32>,
    %get3A_17 = arith.constant 0 : index
    %get3A_18 = arith.constant 0 : index
    %get3A_19 = vector.load %arg1[%get3A_17, %get3A_18] : memref<8x1xi32, #tpu.memory_space<vmem>>, vector<8x1xi32>
    %scan3A = arith.constant 0 : i32
    %scan3A_20 = arith.constant 512 : i32
    %scan3A_21 = arith.addi %scan3A, %scan3A_20 : i32
    %scan3A_22 = arith.constant 1 : i32
    %scan3A_23 = scf.for %scan3A_25 = %scan3A to %scan3A_21 step %scan3A_22 iter_args(%scan3A_26 = %get3A_19) -> (vector<8x1xi32>)  : i32 {
      %eq3A = vector.broadcast %scan3A_26 : vector<8x1xi32> to vector<8x4096xi32>
      %eq3A_27 = arith.cmpi eq, %iota3A, %eq3A : vector<8x4096xi32>
      %broadcast_in_dim3A_28 = vector.shape_cast %eq3A_27 : vector<8x4096xi1> to vector<1x8x4096xi1>
      %get3A_29 = arith.constant 0 : index
      %get3A_30 = arith.constant 0 : index
      %get3A_31 = arith.constant 0 : index
      %get3A_32 = vector.load %arg0[%get3A_29, %get3A_30, %get3A_31] : memref<3x8x4096xf32, #tpu.memory_space<vmem>>, vector<3x8x4096xf32>
      %jit3A = arith.constant 0.000000e+00 : f32
      %broadcast_in_dim3A_33 = vector.shape_cast %broadcast_in_dim3A_28 : vector<1x8x4096xi1> to vector<1x8x4096xi1>
      %broadcast_in_dim3A_34 = vector.broadcast %broadcast_in_dim3A_33 : vector<1x8x4096xi1> to vector<3x8x4096xi1>
      %broadcast_in_dim3A_35 = vector.broadcast %jit3A : f32 to vector<3x8x4096xf32>
      %select_n3A = arith.select %broadcast_in_dim3A_34, %get3A_32, %broadcast_in_dim3A_35 : vector<3x8x4096xi1>, vector<3x8x4096xf32>
      %reduce_sum3A = arith.constant dense<0.000000e+00> : vector<3x8xf32>
      %reduce_sum3A_36 = vector.multi_reduction <add>, %select_n3A, %reduce_sum3A [2] : vector<3x8x4096xf32> to vector<3x8xf32>
      %broadcast_in_dim3A_37 = vector.shape_cast %reduce_sum3A_36 : vector<3x8xf32> to vector<3x8x1xf32>
      %reshape3A = vector.shape_cast %broadcast_in_dim3A_37 : vector<3x8x1xf32> to vector<1x3x8xf32>
      %swap3A_38 = arith.index_cast %scan3A_25 : i32 to index
      %swap3A_39 = arith.constant 0 : index
      %swap3A_40 = arith.constant 0 : index
      %swap3A_41 = vector.load %arg2[%swap3A_38, %swap3A_39, %swap3A_40] : memref<512x3x8xf32, #tpu.memory_space<vmem>>, vector<1x3x8xf32>
      tpu.vector_store %arg2[%swap3A_38, %swap3A_39, %swap3A_40], %reshape3A {strides = array<i32>} : memref<512x3x8xf32, #tpu.memory_space<vmem>>, vector<1x3x8xf32>,
      %slice3A = vector.extract_strided_slice %broadcast_in_dim3A_37 {offsets = [0, 0, 0], sizes = [1, 8, 1], strides = [1, 1, 1]} : vector<3x8x1xf32> to vector<1x8x1xf32>
      %squeeze3A = vector.shape_cast %slice3A : vector<1x8x1xf32> to vector<8x1xf32>
      %slice3A_42 = vector.extract_strided_slice %broadcast_in_dim3A_37 {offsets = [1, 0, 0], sizes = [1, 8, 1], strides = [1, 1, 1]} : vector<3x8x1xf32> to vector<1x8x1xf32>
      %squeeze3A_43 = vector.shape_cast %slice3A_42 : vector<1x8x1xf32> to vector<8x1xf32>
      %slice3A_44 = vector.extract_strided_slice %broadcast_in_dim3A_37 {offsets = [2, 0, 0], sizes = [1, 8, 1], strides = [1, 1, 1]} : vector<3x8x1xf32> to vector<1x8x1xf32>
      %squeeze3A_45 = vector.shape_cast %slice3A_44 : vector<1x8x1xf32> to vector<8x1xf32>
      %sub3A = vector.broadcast %squeeze3A : vector<8x1xf32> to vector<8x4096xf32>
      %sub3A_46 = arith.subf %get3A_3, %sub3A : vector<8x4096xf32>
      %sub3A_47 = vector.broadcast %squeeze3A_43 : vector<8x1xf32> to vector<8x4096xf32>
      %sub3A_48 = arith.subf %get3A_8, %sub3A_47 : vector<8x4096xf32>
      %sub3A_49 = vector.broadcast %squeeze3A_45 : vector<8x1xf32> to vector<8x4096xf32>
      %sub3A_50 = arith.subf %get3A_13, %sub3A_49 : vector<8x4096xf32>
      %mul3A = arith.mulf %sub3A_46, %sub3A_46 : vector<8x4096xf32>
      %mul3A_51 = arith.mulf %sub3A_48, %sub3A_48 : vector<8x4096xf32>
      %add3A = arith.addf %mul3A, %mul3A_51 : vector<8x4096xf32>
      %mul3A_52 = arith.mulf %sub3A_50, %sub3A_50 : vector<8x4096xf32>
      %add3A_53 = arith.addf %add3A, %mul3A_52 : vector<8x4096xf32>
      %get3A_54 = arith.constant 0 : index
      %get3A_55 = arith.constant 0 : index
      %get3A_56 = vector.load %arg3[%get3A_54, %get3A_55] : memref<8x4096xf32, #tpu.memory_space<vmem>>, vector<8x4096xf32>
      %min3A = arith.minimumf %get3A_56, %add3A_53 : vector<8x4096xf32>
      %swap3A_57 = arith.constant 0 : index
      %swap3A_58 = arith.constant 0 : index
      %swap3A_59 = vector.load %arg3[%swap3A_57, %swap3A_58] : memref<8x4096xf32, #tpu.memory_space<vmem>>, vector<8x4096xf32>
      tpu.vector_store %arg3[%swap3A_57, %swap3A_58], %min3A {strides = array<i32>} : memref<8x4096xf32, #tpu.memory_space<vmem>>, vector<8x4096xf32>,
      %reduce_max3A = arith.constant dense<0xFF800000> : vector<8xf32>
      %reduce_max3A_60 = vector.multi_reduction <maximumf>, %min3A, %reduce_max3A [1] : vector<8x4096xf32> to vector<8xf32>
      %broadcast_in_dim3A_61 = vector.shape_cast %reduce_max3A_60 : vector<8xf32> to vector<8x1xf32>
      %eq3A_62 = vector.broadcast %broadcast_in_dim3A_61 : vector<8x1xf32> to vector<8x4096xf32>
      %eq3A_63 = arith.cmpf oeq, %min3A, %eq3A_62 : vector<8x4096xf32>
      %jit3A_64 = arith.constant 4096 : i32
      %broadcast_in_dim3A_65 = vector.broadcast %jit3A_64 : i32 to vector<8x4096xi32>
      %select_n3A_66 = arith.select %eq3A_63, %iota3A, %broadcast_in_dim3A_65 : vector<8x4096xi1>, vector<8x4096xi32>
      %reduce_min3A = arith.constant dense<2147483647> : vector<8xi32>
      %reduce_min3A_67 = vector.multi_reduction <minsi>, %select_n3A_66, %reduce_min3A [1] : vector<8x4096xi32> to vector<8xi32>
      %broadcast_in_dim3A_68 = vector.shape_cast %reduce_min3A_67 : vector<8xi32> to vector<8x1xi32>
      scf.yield %broadcast_in_dim3A_68 : vector<8x1xi32>
    }
    %scan3A_24 = arith.constant 512 : i32
    return
  }
}

module attributes {stable_mosaic.version = 14 : i64} {
  func.func @_m1s_body(%arg0: i32, %arg1: memref<4096x8xf32, #tpu.memory_space<vmem>>, %arg2: memref<4096x64xf32, #tpu.memory_space<vmem>>, %arg3: memref<8x128xf32, #tpu.memory_space<vmem>>, %arg4: memref<64x128xf32, #tpu.memory_space<vmem>>, %arg5: memref<2x128xf32, #tpu.memory_space<vmem>>) attributes {dimension_semantics = [#tpu.dimension_semantics<arbitrary>], iteration_bounds = array<i64: 32>, scalar_prefetch = 0 : i64, scratch_operands = 0 : i64, tpu.core_type = #tpu.core_type<tc>, window_params = [{transform_indices = @transform_0, window_bounds = array<i64: 4096, 8>}, {transform_indices = @transform_1, window_bounds = array<i64: 4096, 64>}, {pipeline_mode = #tpu.pipeline_mode<synchronous>, transform_indices = @transform_2, window_bounds = array<i64: 8, 128>}, {pipeline_mode = #tpu.pipeline_mode<synchronous>, transform_indices = @transform_3, window_bounds = array<i64: 64, 128>}, {pipeline_mode = #tpu.pipeline_mode<synchronous>, transform_indices = @transform_4, window_bounds = array<i64: 2, 128>}]} {
    %get3A = arith.constant 0 : index
    %get3A_0 = arith.constant 0 : index
    %get3A_1 = vector.load %arg1[%get3A, %get3A_0] : memref<4096x8xf32, #tpu.memory_space<vmem>>, vector<4096x8xf32>
    %get3A_2 = arith.constant 0 : index
    %get3A_3 = arith.constant 0 : index
    %get3A_4 = vector.load %arg3[%get3A_2, %get3A_3] : memref<8x128xf32, #tpu.memory_space<vmem>>, vector<8x128xf32>
    %dot_general3A = arith.constant dense<0.000000e+00> : vector<4096x128xf32>
    %dot_general3A_5 = tpu.matmul %get3A_1, %get3A_4, %dot_general3A {dimension_numbers = #tpu.dot_dimension_numbers<[1], [0], [0], [1], [0, 0, 1, 1], [], []>, transpose_lhs_hint = false} : vector<4096x8xf32>, vector<8x128xf32>, vector<4096x128xf32> -> vector<4096x128xf32>
    %get3A_6 = arith.constant 0 : index
    %get3A_7 = arith.constant 0 : index
    %get3A_8 = vector.load %arg2[%get3A_6, %get3A_7] : memref<4096x64xf32, #tpu.memory_space<vmem>>, vector<4096x64xf32>
    %get3A_9 = arith.constant 0 : index
    %get3A_10 = arith.constant 0 : index
    %get3A_11 = vector.load %arg4[%get3A_9, %get3A_10] : memref<64x128xf32, #tpu.memory_space<vmem>>, vector<64x128xf32>
    %dot_general3A_12 = arith.constant dense<0.000000e+00> : vector<4096x128xf32>
    %dot_general3A_13 = tpu.matmul %get3A_8, %get3A_11, %dot_general3A_12 {dimension_numbers = #tpu.dot_dimension_numbers<[1], [0], [0], [1], [0, 0, 1, 1], [], []>, transpose_lhs_hint = false} : vector<4096x64xf32>, vector<64x128xf32>, vector<4096x128xf32> -> vector<4096x128xf32>
    %add3A = arith.addf %dot_general3A_5, %dot_general3A_13 : vector<4096x128xf32>
    %reduce_sum3A = arith.constant dense<0.000000e+00> : vector<128xf32>
    %reduce_sum3A_14 = vector.multi_reduction <add>, %add3A, %reduce_sum3A [0] : vector<4096x128xf32> to vector<128xf32>
    %broadcast_in_dim3A = vector.shape_cast %reduce_sum3A_14 : vector<128xf32> to vector<1x128xf32>
    %mul3A = arith.mulf %add3A, %add3A : vector<4096x128xf32>
    %reduce_sum3A_15 = arith.constant dense<0.000000e+00> : vector<128xf32>
    %reduce_sum3A_16 = vector.multi_reduction <add>, %mul3A, %reduce_sum3A_15 [0] : vector<4096x128xf32> to vector<128xf32>
    %broadcast_in_dim3A_17 = vector.shape_cast %reduce_sum3A_16 : vector<128xf32> to vector<1x128xf32>
    %concatenate3A = tpu.concatenate %broadcast_in_dim3A, %broadcast_in_dim3A_17 in 0 : vector<1x128xf32>, vector<1x128xf32> -> vector<2x128xf32>
    %eq3A = arith.constant 0 : i32
    %eq3A_18 = arith.cmpi eq, %arg0, %eq3A : i32
    %convert_element_type3A = arith.extui %eq3A_18 : i1 to i32
    %cond3A = arith.constant 0 : i32
    %cond3A_19 = arith.cmpi ne, %convert_element_type3A, %cond3A : i32
    scf.if %cond3A_19 {
      %broadcast_in_dim3A_26 = arith.constant 0.000000e+00 : f32
      %broadcast_in_dim3A_27 = vector.broadcast %broadcast_in_dim3A_26 : f32 to vector<2x128xf32>
      %swap3A_28 = arith.constant 0 : index
      %swap3A_29 = arith.constant 0 : index
      %swap3A_30 = vector.load %arg5[%swap3A_28, %swap3A_29] : memref<2x128xf32, #tpu.memory_space<vmem>>, vector<2x128xf32>
      tpu.vector_store %arg5[%swap3A_28, %swap3A_29], %broadcast_in_dim3A_27 {strides = array<i32>} : memref<2x128xf32, #tpu.memory_space<vmem>>, vector<2x128xf32>,
    } else {
    }
    %get3A_20 = arith.constant 0 : index
    %get3A_21 = arith.constant 0 : index
    %get3A_22 = vector.load %arg5[%get3A_20, %get3A_21] : memref<2x128xf32, #tpu.memory_space<vmem>>, vector<2x128xf32>
    %add3A_23 = arith.addf %get3A_22, %concatenate3A : vector<2x128xf32>
    %swap3A = arith.constant 0 : index
    %swap3A_24 = arith.constant 0 : index
    %swap3A_25 = vector.load %arg5[%swap3A, %swap3A_24] : memref<2x128xf32, #tpu.memory_space<vmem>>, vector<2x128xf32>
    tpu.vector_store %arg5[%swap3A, %swap3A_24], %add3A_23 {strides = array<i32>} : memref<2x128xf32, #tpu.memory_space<vmem>>, vector<2x128xf32>,
    return
  }
  func.func @transform_0(%arg0: i32) -> (i32, i32) {
    %c0_i32 = arith.constant 0 : i32
    %c0_i32_0 = arith.constant 0 : i32
    return %arg0, %c0_i32 : i32, i32
  }
  func.func @transform_1(%arg0: i32) -> (i32, i32) {
    %c0_i32 = arith.constant 0 : i32
    %c0_i32_0 = arith.constant 0 : i32
    return %arg0, %c0_i32 : i32, i32
  }
  func.func @transform_2(%arg0: i32) -> (i32, i32) {
    %c0_i32 = arith.constant 0 : i32
    %c0_i32_0 = arith.constant 0 : i32
    %c0_i32_1 = arith.constant 0 : i32
    return %c0_i32, %c0_i32_0 : i32, i32
  }
  func.func @transform_3(%arg0: i32) -> (i32, i32) {
    %c0_i32 = arith.constant 0 : i32
    %c0_i32_0 = arith.constant 0 : i32
    %c0_i32_1 = arith.constant 0 : i32
    return %c0_i32, %c0_i32_0 : i32, i32
  }
  func.func @transform_4(%arg0: i32) -> (i32, i32) {
    %c0_i32 = arith.constant 0 : i32
    %c0_i32_0 = arith.constant 0 : i32
    %c0_i32_1 = arith.constant 0 : i32
    return %c0_i32, %c0_i32_0 : i32, i32
  }
}

module attributes {stable_mosaic.version = 14 : i64} {
  func.func @_m2_body(%arg0: i32, %arg1: memref<4096x8xf32, #tpu.memory_space<vmem>>, %arg2: memref<4096x64xf32, #tpu.memory_space<vmem>>, %arg3: memref<8x128xf32, #tpu.memory_space<vmem>>, %arg4: memref<64x128xf32, #tpu.memory_space<vmem>>, %arg5: memref<2x128xf32, #tpu.memory_space<vmem>>, %arg6: memref<2x128xf32, #tpu.memory_space<vmem>>, %arg7: memref<128x128xf32, #tpu.memory_space<vmem>>, %arg8: memref<4096x128xf32, #tpu.memory_space<vmem>>, %arg9: memref<2x128xf32, #tpu.memory_space<vmem>>) attributes {dimension_semantics = [#tpu.dimension_semantics<arbitrary>], iteration_bounds = array<i64: 32>, scalar_prefetch = 0 : i64, scratch_operands = 0 : i64, tpu.core_type = #tpu.core_type<tc>, window_params = [{transform_indices = @transform_0, window_bounds = array<i64: 4096, 8>}, {transform_indices = @transform_1, window_bounds = array<i64: 4096, 64>}, {pipeline_mode = #tpu.pipeline_mode<synchronous>, transform_indices = @transform_2, window_bounds = array<i64: 8, 128>}, {pipeline_mode = #tpu.pipeline_mode<synchronous>, transform_indices = @transform_3, window_bounds = array<i64: 64, 128>}, {pipeline_mode = #tpu.pipeline_mode<synchronous>, transform_indices = @transform_4, window_bounds = array<i64: 2, 128>}, {pipeline_mode = #tpu.pipeline_mode<synchronous>, transform_indices = @transform_5, window_bounds = array<i64: 2, 128>}, {pipeline_mode = #tpu.pipeline_mode<synchronous>, transform_indices = @transform_6, window_bounds = array<i64: 128, 128>}, {transform_indices = @transform_7, window_bounds = array<i64: 4096, 128>}, {pipeline_mode = #tpu.pipeline_mode<synchronous>, transform_indices = @transform_8, window_bounds = array<i64: 2, 128>}]} {
    %get3A = arith.constant 0 : index
    %get3A_0 = arith.constant 0 : index
    %get3A_1 = vector.load %arg1[%get3A, %get3A_0] : memref<4096x8xf32, #tpu.memory_space<vmem>>, vector<4096x8xf32>
    %get3A_2 = arith.constant 0 : index
    %get3A_3 = arith.constant 0 : index
    %get3A_4 = vector.load %arg3[%get3A_2, %get3A_3] : memref<8x128xf32, #tpu.memory_space<vmem>>, vector<8x128xf32>
    %dot_general3A = arith.constant dense<0.000000e+00> : vector<4096x128xf32>
    %dot_general3A_5 = tpu.matmul %get3A_1, %get3A_4, %dot_general3A {dimension_numbers = #tpu.dot_dimension_numbers<[1], [0], [0], [1], [0, 0, 1, 1], [], []>, transpose_lhs_hint = false} : vector<4096x8xf32>, vector<8x128xf32>, vector<4096x128xf32> -> vector<4096x128xf32>
    %get3A_6 = arith.constant 0 : index
    %get3A_7 = arith.constant 0 : index
    %get3A_8 = vector.load %arg2[%get3A_6, %get3A_7] : memref<4096x64xf32, #tpu.memory_space<vmem>>, vector<4096x64xf32>
    %get3A_9 = arith.constant 0 : index
    %get3A_10 = arith.constant 0 : index
    %get3A_11 = vector.load %arg4[%get3A_9, %get3A_10] : memref<64x128xf32, #tpu.memory_space<vmem>>, vector<64x128xf32>
    %dot_general3A_12 = arith.constant dense<0.000000e+00> : vector<4096x128xf32>
    %dot_general3A_13 = tpu.matmul %get3A_8, %get3A_11, %dot_general3A_12 {dimension_numbers = #tpu.dot_dimension_numbers<[1], [0], [0], [1], [0, 0, 1, 1], [], []>, transpose_lhs_hint = false} : vector<4096x64xf32>, vector<64x128xf32>, vector<4096x128xf32> -> vector<4096x128xf32>
    %add3A = arith.addf %dot_general3A_5, %dot_general3A_13 : vector<4096x128xf32>
    %get3A_14 = arith.constant 0 : index
    %get3A_15 = arith.constant 0 : index
    %get3A_16 = vector.load %arg5[%get3A_14, %get3A_15] : memref<2x128xf32, #tpu.memory_space<vmem>>, vector<1x128xf32>
    %mul3A = arith.constant 7.62939453E-6 : f32
    %mul3A_17 = vector.broadcast %mul3A : f32 to vector<1x128xf32>
    %mul3A_18 = arith.mulf %get3A_16, %mul3A_17 : vector<1x128xf32>
    %get3A_19 = arith.constant 1 : index
    %get3A_20 = arith.constant 0 : index
    %get3A_21 = vector.load %arg5[%get3A_19, %get3A_20] : memref<2x128xf32, #tpu.memory_space<vmem>>, vector<1x128xf32>
    %mul3A_22 = arith.constant 7.62939453E-6 : f32
    %mul3A_23 = vector.broadcast %mul3A_22 : f32 to vector<1x128xf32>
    %mul3A_24 = arith.mulf %get3A_21, %mul3A_23 : vector<1x128xf32>
    %mul3A_25 = arith.mulf %mul3A_18, %mul3A_18 : vector<1x128xf32>
    %sub3A = arith.subf %mul3A_24, %mul3A_25 : vector<1x128xf32>
    %get3A_26 = arith.constant 0 : index
    %get3A_27 = arith.constant 0 : index
    %get3A_28 = vector.load %arg6[%get3A_26, %get3A_27] : memref<2x128xf32, #tpu.memory_space<vmem>>, vector<1x128xf32>
    %add3A_29 = arith.constant 9.99999974E-6 : f32
    %add3A_30 = vector.broadcast %add3A_29 : f32 to vector<1x128xf32>
    %add3A_31 = arith.addf %sub3A, %add3A_30 : vector<1x128xf32>
    %rsqrt3A = math.rsqrt %add3A_31 : vector<1x128xf32>
    %mul3A_32 = arith.mulf %get3A_28, %rsqrt3A : vector<1x128xf32>
    %get3A_33 = arith.constant 1 : index
    %get3A_34 = arith.constant 0 : index
    %get3A_35 = vector.load %arg6[%get3A_33, %get3A_34] : memref<2x128xf32, #tpu.memory_space<vmem>>, vector<1x128xf32>
    %mul3A_36 = arith.mulf %mul3A_18, %mul3A_32 : vector<1x128xf32>
    %sub3A_37 = arith.subf %get3A_35, %mul3A_36 : vector<1x128xf32>
    %mul3A_38 = vector.broadcast %mul3A_32 : vector<1x128xf32> to vector<4096x128xf32>
    %mul3A_39 = arith.mulf %add3A, %mul3A_38 : vector<4096x128xf32>
    %add3A_40 = vector.broadcast %sub3A_37 : vector<1x128xf32> to vector<4096x128xf32>
    %add3A_41 = arith.addf %mul3A_39, %add3A_40 : vector<4096x128xf32>
    %max3A = arith.constant 0.000000e+00 : f32
    %max3A_42 = vector.broadcast %max3A : f32 to vector<4096x128xf32>
    %max3A_43 = arith.maximumf %add3A_41, %max3A_42 : vector<4096x128xf32>
    %get3A_44 = arith.constant 0 : index
    %get3A_45 = arith.constant 0 : index
    %get3A_46 = vector.load %arg7[%get3A_44, %get3A_45] : memref<128x128xf32, #tpu.memory_space<vmem>>, vector<128x128xf32>
    %dot_general3A_47 = arith.constant dense<0.000000e+00> : vector<4096x128xf32>
    %dot_general3A_48 = tpu.matmul %max3A_43, %get3A_46, %dot_general3A_47 {dimension_numbers = #tpu.dot_dimension_numbers<[1], [0], [0], [1], [0, 0, 1, 1], [], []>, transpose_lhs_hint = false} : vector<4096x128xf32>, vector<128x128xf32>, vector<4096x128xf32> -> vector<4096x128xf32>
    %swap3A = arith.constant 0 : index
    %swap3A_49 = arith.constant 0 : index
    %swap3A_50 = vector.load %arg8[%swap3A, %swap3A_49] : memref<4096x128xf32, #tpu.memory_space<vmem>>, vector<4096x128xf32>
    tpu.vector_store %arg8[%swap3A, %swap3A_49], %dot_general3A_48 {strides = array<i32>} : memref<4096x128xf32, #tpu.memory_space<vmem>>, vector<4096x128xf32>,
    %reduce_sum3A = arith.constant dense<0.000000e+00> : vector<128xf32>
    %reduce_sum3A_51 = vector.multi_reduction <add>, %dot_general3A_48, %reduce_sum3A [0] : vector<4096x128xf32> to vector<128xf32>
    %broadcast_in_dim3A = vector.shape_cast %reduce_sum3A_51 : vector<128xf32> to vector<1x128xf32>
    %mul3A_52 = arith.mulf %dot_general3A_48, %dot_general3A_48 : vector<4096x128xf32>
    %reduce_sum3A_53 = arith.constant dense<0.000000e+00> : vector<128xf32>
    %reduce_sum3A_54 = vector.multi_reduction <add>, %mul3A_52, %reduce_sum3A_53 [0] : vector<4096x128xf32> to vector<128xf32>
    %broadcast_in_dim3A_55 = vector.shape_cast %reduce_sum3A_54 : vector<128xf32> to vector<1x128xf32>
    %concatenate3A = tpu.concatenate %broadcast_in_dim3A, %broadcast_in_dim3A_55 in 0 : vector<1x128xf32>, vector<1x128xf32> -> vector<2x128xf32>
    %eq3A = arith.constant 0 : i32
    %eq3A_56 = arith.cmpi eq, %arg0, %eq3A : i32
    %convert_element_type3A = arith.extui %eq3A_56 : i1 to i32
    %cond3A = arith.constant 0 : i32
    %cond3A_57 = arith.cmpi ne, %convert_element_type3A, %cond3A : i32
    scf.if %cond3A_57 {
      %broadcast_in_dim3A_65 = arith.constant 0.000000e+00 : f32
      %broadcast_in_dim3A_66 = vector.broadcast %broadcast_in_dim3A_65 : f32 to vector<2x128xf32>
      %swap3A_67 = arith.constant 0 : index
      %swap3A_68 = arith.constant 0 : index
      %swap3A_69 = vector.load %arg9[%swap3A_67, %swap3A_68] : memref<2x128xf32, #tpu.memory_space<vmem>>, vector<2x128xf32>
      tpu.vector_store %arg9[%swap3A_67, %swap3A_68], %broadcast_in_dim3A_66 {strides = array<i32>} : memref<2x128xf32, #tpu.memory_space<vmem>>, vector<2x128xf32>,
    } else {
    }
    %get3A_58 = arith.constant 0 : index
    %get3A_59 = arith.constant 0 : index
    %get3A_60 = vector.load %arg9[%get3A_58, %get3A_59] : memref<2x128xf32, #tpu.memory_space<vmem>>, vector<2x128xf32>
    %add3A_61 = arith.addf %get3A_60, %concatenate3A : vector<2x128xf32>
    %swap3A_62 = arith.constant 0 : index
    %swap3A_63 = arith.constant 0 : index
    %swap3A_64 = vector.load %arg9[%swap3A_62, %swap3A_63] : memref<2x128xf32, #tpu.memory_space<vmem>>, vector<2x128xf32>
    tpu.vector_store %arg9[%swap3A_62, %swap3A_63], %add3A_61 {strides = array<i32>} : memref<2x128xf32, #tpu.memory_space<vmem>>, vector<2x128xf32>,
    return
  }
  func.func @transform_0(%arg0: i32) -> (i32, i32) {
    %c0_i32 = arith.constant 0 : i32
    %c0_i32_0 = arith.constant 0 : i32
    return %arg0, %c0_i32 : i32, i32
  }
  func.func @transform_1(%arg0: i32) -> (i32, i32) {
    %c0_i32 = arith.constant 0 : i32
    %c0_i32_0 = arith.constant 0 : i32
    return %arg0, %c0_i32 : i32, i32
  }
  func.func @transform_2(%arg0: i32) -> (i32, i32) {
    %c0_i32 = arith.constant 0 : i32
    %c0_i32_0 = arith.constant 0 : i32
    %c0_i32_1 = arith.constant 0 : i32
    return %c0_i32, %c0_i32_0 : i32, i32
  }
  func.func @transform_3(%arg0: i32) -> (i32, i32) {
    %c0_i32 = arith.constant 0 : i32
    %c0_i32_0 = arith.constant 0 : i32
    %c0_i32_1 = arith.constant 0 : i32
    return %c0_i32, %c0_i32_0 : i32, i32
  }
  func.func @transform_4(%arg0: i32) -> (i32, i32) {
    %c0_i32 = arith.constant 0 : i32
    %c0_i32_0 = arith.constant 0 : i32
    %c0_i32_1 = arith.constant 0 : i32
    return %c0_i32, %c0_i32_0 : i32, i32
  }
  func.func @transform_5(%arg0: i32) -> (i32, i32) {
    %c0_i32 = arith.constant 0 : i32
    %c0_i32_0 = arith.constant 0 : i32
    %c0_i32_1 = arith.constant 0 : i32
    return %c0_i32, %c0_i32_0 : i32, i32
  }
  func.func @transform_6(%arg0: i32) -> (i32, i32) {
    %c0_i32 = arith.constant 0 : i32
    %c0_i32_0 = arith.constant 0 : i32
    %c0_i32_1 = arith.constant 0 : i32
    return %c0_i32, %c0_i32_0 : i32, i32
  }
  func.func @transform_7(%arg0: i32) -> (i32, i32) {
    %c0_i32 = arith.constant 0 : i32
    %c0_i32_0 = arith.constant 0 : i32
    return %arg0, %c0_i32 : i32, i32
  }
  func.func @transform_8(%arg0: i32) -> (i32, i32) {
    %c0_i32 = arith.constant 0 : i32
    %c0_i32_0 = arith.constant 0 : i32
    %c0_i32_1 = arith.constant 0 : i32
    return %c0_i32, %c0_i32_0 : i32, i32
  }
}

module attributes {stable_mosaic.version = 14 : i64} {
  func.func @_m3s_body(%arg0: i32, %arg1: memref<4096x128xf32, #tpu.memory_space<vmem>>, %arg2: memref<2x128xf32, #tpu.memory_space<vmem>>, %arg3: memref<2x128xf32, #tpu.memory_space<vmem>>, %arg4: memref<128x256xf32, #tpu.memory_space<vmem>>, %arg5: memref<2x256xf32, #tpu.memory_space<vmem>>) attributes {dimension_semantics = [#tpu.dimension_semantics<arbitrary>], iteration_bounds = array<i64: 32>, scalar_prefetch = 0 : i64, scratch_operands = 0 : i64, tpu.core_type = #tpu.core_type<tc>, window_params = [{transform_indices = @transform_0, window_bounds = array<i64: 4096, 128>}, {pipeline_mode = #tpu.pipeline_mode<synchronous>, transform_indices = @transform_1, window_bounds = array<i64: 2, 128>}, {pipeline_mode = #tpu.pipeline_mode<synchronous>, transform_indices = @transform_2, window_bounds = array<i64: 2, 128>}, {pipeline_mode = #tpu.pipeline_mode<synchronous>, transform_indices = @transform_3, window_bounds = array<i64: 128, 256>}, {pipeline_mode = #tpu.pipeline_mode<synchronous>, transform_indices = @transform_4, window_bounds = array<i64: 2, 256>}]} {
    %get3A = arith.constant 0 : index
    %get3A_0 = arith.constant 0 : index
    %get3A_1 = vector.load %arg2[%get3A, %get3A_0] : memref<2x128xf32, #tpu.memory_space<vmem>>, vector<1x128xf32>
    %mul3A = arith.constant 7.62939453E-6 : f32
    %mul3A_2 = vector.broadcast %mul3A : f32 to vector<1x128xf32>
    %mul3A_3 = arith.mulf %get3A_1, %mul3A_2 : vector<1x128xf32>
    %get3A_4 = arith.constant 1 : index
    %get3A_5 = arith.constant 0 : index
    %get3A_6 = vector.load %arg2[%get3A_4, %get3A_5] : memref<2x128xf32, #tpu.memory_space<vmem>>, vector<1x128xf32>
    %mul3A_7 = arith.constant 7.62939453E-6 : f32
    %mul3A_8 = vector.broadcast %mul3A_7 : f32 to vector<1x128xf32>
    %mul3A_9 = arith.mulf %get3A_6, %mul3A_8 : vector<1x128xf32>
    %mul3A_10 = arith.mulf %mul3A_3, %mul3A_3 : vector<1x128xf32>
    %sub3A = arith.subf %mul3A_9, %mul3A_10 : vector<1x128xf32>
    %get3A_11 = arith.constant 0 : index
    %get3A_12 = arith.constant 0 : index
    %get3A_13 = vector.load %arg3[%get3A_11, %get3A_12] : memref<2x128xf32, #tpu.memory_space<vmem>>, vector<1x128xf32>
    %add3A = arith.constant 9.99999974E-6 : f32
    %add3A_14 = vector.broadcast %add3A : f32 to vector<1x128xf32>
    %add3A_15 = arith.addf %sub3A, %add3A_14 : vector<1x128xf32>
    %rsqrt3A = math.rsqrt %add3A_15 : vector<1x128xf32>
    %mul3A_16 = arith.mulf %get3A_13, %rsqrt3A : vector<1x128xf32>
    %get3A_17 = arith.constant 1 : index
    %get3A_18 = arith.constant 0 : index
    %get3A_19 = vector.load %arg3[%get3A_17, %get3A_18] : memref<2x128xf32, #tpu.memory_space<vmem>>, vector<1x128xf32>
    %mul3A_20 = arith.mulf %mul3A_3, %mul3A_16 : vector<1x128xf32>
    %sub3A_21 = arith.subf %get3A_19, %mul3A_20 : vector<1x128xf32>
    %get3A_22 = arith.constant 0 : index
    %get3A_23 = arith.constant 0 : index
    %get3A_24 = vector.load %arg1[%get3A_22, %get3A_23] : memref<4096x128xf32, #tpu.memory_space<vmem>>, vector<4096x128xf32>
    %mul3A_25 = vector.broadcast %mul3A_16 : vector<1x128xf32> to vector<4096x128xf32>
    %mul3A_26 = arith.mulf %get3A_24, %mul3A_25 : vector<4096x128xf32>
    %add3A_27 = vector.broadcast %sub3A_21 : vector<1x128xf32> to vector<4096x128xf32>
    %add3A_28 = arith.addf %mul3A_26, %add3A_27 : vector<4096x128xf32>
    %max3A = arith.constant 0.000000e+00 : f32
    %max3A_29 = vector.broadcast %max3A : f32 to vector<4096x128xf32>
    %max3A_30 = arith.maximumf %add3A_28, %max3A_29 : vector<4096x128xf32>
    %get3A_31 = arith.constant 0 : index
    %get3A_32 = arith.constant 0 : index
    %get3A_33 = vector.load %arg4[%get3A_31, %get3A_32] : memref<128x256xf32, #tpu.memory_space<vmem>>, vector<128x256xf32>
    %dot_general3A = arith.constant dense<0.000000e+00> : vector<4096x256xf32>
    %dot_general3A_34 = tpu.matmul %max3A_30, %get3A_33, %dot_general3A {dimension_numbers = #tpu.dot_dimension_numbers<[1], [0], [0], [1], [0, 0, 1, 1], [], []>, transpose_lhs_hint = false} : vector<4096x128xf32>, vector<128x256xf32>, vector<4096x256xf32> -> vector<4096x256xf32>
    %reduce_sum3A = arith.constant dense<0.000000e+00> : vector<256xf32>
    %reduce_sum3A_35 = vector.multi_reduction <add>, %dot_general3A_34, %reduce_sum3A [0] : vector<4096x256xf32> to vector<256xf32>
    %broadcast_in_dim3A = vector.shape_cast %reduce_sum3A_35 : vector<256xf32> to vector<1x256xf32>
    %mul3A_36 = arith.mulf %dot_general3A_34, %dot_general3A_34 : vector<4096x256xf32>
    %reduce_sum3A_37 = arith.constant dense<0.000000e+00> : vector<256xf32>
    %reduce_sum3A_38 = vector.multi_reduction <add>, %mul3A_36, %reduce_sum3A_37 [0] : vector<4096x256xf32> to vector<256xf32>
    %broadcast_in_dim3A_39 = vector.shape_cast %reduce_sum3A_38 : vector<256xf32> to vector<1x256xf32>
    %concatenate3A = tpu.concatenate %broadcast_in_dim3A, %broadcast_in_dim3A_39 in 0 : vector<1x256xf32>, vector<1x256xf32> -> vector<2x256xf32>
    %eq3A = arith.constant 0 : i32
    %eq3A_40 = arith.cmpi eq, %arg0, %eq3A : i32
    %convert_element_type3A = arith.extui %eq3A_40 : i1 to i32
    %cond3A = arith.constant 0 : i32
    %cond3A_41 = arith.cmpi ne, %convert_element_type3A, %cond3A : i32
    scf.if %cond3A_41 {
      %broadcast_in_dim3A_48 = arith.constant 0.000000e+00 : f32
      %broadcast_in_dim3A_49 = vector.broadcast %broadcast_in_dim3A_48 : f32 to vector<2x256xf32>
      %swap3A_50 = arith.constant 0 : index
      %swap3A_51 = arith.constant 0 : index
      %swap3A_52 = vector.load %arg5[%swap3A_50, %swap3A_51] : memref<2x256xf32, #tpu.memory_space<vmem>>, vector<2x256xf32>
      tpu.vector_store %arg5[%swap3A_50, %swap3A_51], %broadcast_in_dim3A_49 {strides = array<i32>} : memref<2x256xf32, #tpu.memory_space<vmem>>, vector<2x256xf32>,
    } else {
    }
    %get3A_42 = arith.constant 0 : index
    %get3A_43 = arith.constant 0 : index
    %get3A_44 = vector.load %arg5[%get3A_42, %get3A_43] : memref<2x256xf32, #tpu.memory_space<vmem>>, vector<2x256xf32>
    %add3A_45 = arith.addf %get3A_44, %concatenate3A : vector<2x256xf32>
    %swap3A = arith.constant 0 : index
    %swap3A_46 = arith.constant 0 : index
    %swap3A_47 = vector.load %arg5[%swap3A, %swap3A_46] : memref<2x256xf32, #tpu.memory_space<vmem>>, vector<2x256xf32>
    tpu.vector_store %arg5[%swap3A, %swap3A_46], %add3A_45 {strides = array<i32>} : memref<2x256xf32, #tpu.memory_space<vmem>>, vector<2x256xf32>,
    return
  }
  func.func @transform_0(%arg0: i32) -> (i32, i32) {
    %c0_i32 = arith.constant 0 : i32
    %c0_i32_0 = arith.constant 0 : i32
    return %arg0, %c0_i32 : i32, i32
  }
  func.func @transform_1(%arg0: i32) -> (i32, i32) {
    %c0_i32 = arith.constant 0 : i32
    %c0_i32_0 = arith.constant 0 : i32
    %c0_i32_1 = arith.constant 0 : i32
    return %c0_i32, %c0_i32_0 : i32, i32
  }
  func.func @transform_2(%arg0: i32) -> (i32, i32) {
    %c0_i32 = arith.constant 0 : i32
    %c0_i32_0 = arith.constant 0 : i32
    %c0_i32_1 = arith.constant 0 : i32
    return %c0_i32, %c0_i32_0 : i32, i32
  }
  func.func @transform_3(%arg0: i32) -> (i32, i32) {
    %c0_i32 = arith.constant 0 : i32
    %c0_i32_0 = arith.constant 0 : i32
    %c0_i32_1 = arith.constant 0 : i32
    return %c0_i32, %c0_i32_0 : i32, i32
  }
  func.func @transform_4(%arg0: i32) -> (i32, i32) {
    %c0_i32 = arith.constant 0 : i32
    %c0_i32_0 = arith.constant 0 : i32
    %c0_i32_1 = arith.constant 0 : i32
    return %c0_i32, %c0_i32_0 : i32, i32
  }
}

module attributes {stable_mosaic.version = 14 : i64} {
  func.func @_m4_body(%arg0: i32, %arg1: memref<4096x128xf32, #tpu.memory_space<vmem>>, %arg2: memref<2x128xf32, #tpu.memory_space<vmem>>, %arg3: memref<2x128xf32, #tpu.memory_space<vmem>>, %arg4: memref<128x256xf32, #tpu.memory_space<vmem>>, %arg5: memref<2x256xf32, #tpu.memory_space<vmem>>, %arg6: memref<2x256xf32, #tpu.memory_space<vmem>>, %arg7: memref<128x256xf32, #tpu.memory_space<vmem>>) attributes {dimension_semantics = [#tpu.dimension_semantics<arbitrary>], iteration_bounds = array<i64: 32>, scalar_prefetch = 0 : i64, scratch_operands = 0 : i64, tpu.core_type = #tpu.core_type<tc>, window_params = [{transform_indices = @transform_0, window_bounds = array<i64: 4096, 128>}, {pipeline_mode = #tpu.pipeline_mode<synchronous>, transform_indices = @transform_1, window_bounds = array<i64: 2, 128>}, {pipeline_mode = #tpu.pipeline_mode<synchronous>, transform_indices = @transform_2, window_bounds = array<i64: 2, 128>}, {pipeline_mode = #tpu.pipeline_mode<synchronous>, transform_indices = @transform_3, window_bounds = array<i64: 128, 256>}, {pipeline_mode = #tpu.pipeline_mode<synchronous>, transform_indices = @transform_4, window_bounds = array<i64: 2, 256>}, {pipeline_mode = #tpu.pipeline_mode<synchronous>, transform_indices = @transform_5, window_bounds = array<i64: 2, 256>}, {transform_indices = @transform_6, window_bounds = array<i64: 128, 256>}]} {
    %get3A = arith.constant 0 : index
    %get3A_0 = arith.constant 0 : index
    %get3A_1 = vector.load %arg2[%get3A, %get3A_0] : memref<2x128xf32, #tpu.memory_space<vmem>>, vector<1x128xf32>
    %mul3A = arith.constant 7.62939453E-6 : f32
    %mul3A_2 = vector.broadcast %mul3A : f32 to vector<1x128xf32>
    %mul3A_3 = arith.mulf %get3A_1, %mul3A_2 : vector<1x128xf32>
    %get3A_4 = arith.constant 1 : index
    %get3A_5 = arith.constant 0 : index
    %get3A_6 = vector.load %arg2[%get3A_4, %get3A_5] : memref<2x128xf32, #tpu.memory_space<vmem>>, vector<1x128xf32>
    %mul3A_7 = arith.constant 7.62939453E-6 : f32
    %mul3A_8 = vector.broadcast %mul3A_7 : f32 to vector<1x128xf32>
    %mul3A_9 = arith.mulf %get3A_6, %mul3A_8 : vector<1x128xf32>
    %mul3A_10 = arith.mulf %mul3A_3, %mul3A_3 : vector<1x128xf32>
    %sub3A = arith.subf %mul3A_9, %mul3A_10 : vector<1x128xf32>
    %get3A_11 = arith.constant 0 : index
    %get3A_12 = arith.constant 0 : index
    %get3A_13 = vector.load %arg3[%get3A_11, %get3A_12] : memref<2x128xf32, #tpu.memory_space<vmem>>, vector<1x128xf32>
    %add3A = arith.constant 9.99999974E-6 : f32
    %add3A_14 = vector.broadcast %add3A : f32 to vector<1x128xf32>
    %add3A_15 = arith.addf %sub3A, %add3A_14 : vector<1x128xf32>
    %rsqrt3A = math.rsqrt %add3A_15 : vector<1x128xf32>
    %mul3A_16 = arith.mulf %get3A_13, %rsqrt3A : vector<1x128xf32>
    %get3A_17 = arith.constant 1 : index
    %get3A_18 = arith.constant 0 : index
    %get3A_19 = vector.load %arg3[%get3A_17, %get3A_18] : memref<2x128xf32, #tpu.memory_space<vmem>>, vector<1x128xf32>
    %mul3A_20 = arith.mulf %mul3A_3, %mul3A_16 : vector<1x128xf32>
    %sub3A_21 = arith.subf %get3A_19, %mul3A_20 : vector<1x128xf32>
    %get3A_22 = arith.constant 0 : index
    %get3A_23 = arith.constant 0 : index
    %get3A_24 = vector.load %arg1[%get3A_22, %get3A_23] : memref<4096x128xf32, #tpu.memory_space<vmem>>, vector<4096x128xf32>
    %mul3A_25 = vector.broadcast %mul3A_16 : vector<1x128xf32> to vector<4096x128xf32>
    %mul3A_26 = arith.mulf %get3A_24, %mul3A_25 : vector<4096x128xf32>
    %add3A_27 = vector.broadcast %sub3A_21 : vector<1x128xf32> to vector<4096x128xf32>
    %add3A_28 = arith.addf %mul3A_26, %add3A_27 : vector<4096x128xf32>
    %max3A = arith.constant 0.000000e+00 : f32
    %max3A_29 = vector.broadcast %max3A : f32 to vector<4096x128xf32>
    %max3A_30 = arith.maximumf %add3A_28, %max3A_29 : vector<4096x128xf32>
    %get3A_31 = arith.constant 0 : index
    %get3A_32 = arith.constant 0 : index
    %get3A_33 = vector.load %arg4[%get3A_31, %get3A_32] : memref<128x256xf32, #tpu.memory_space<vmem>>, vector<128x256xf32>
    %dot_general3A = arith.constant dense<0.000000e+00> : vector<4096x256xf32>
    %dot_general3A_34 = tpu.matmul %max3A_30, %get3A_33, %dot_general3A {dimension_numbers = #tpu.dot_dimension_numbers<[1], [0], [0], [1], [0, 0, 1, 1], [], []>, transpose_lhs_hint = false} : vector<4096x128xf32>, vector<128x256xf32>, vector<4096x256xf32> -> vector<4096x256xf32>
    %get3A_35 = arith.constant 0 : index
    %get3A_36 = arith.constant 0 : index
    %get3A_37 = vector.load %arg5[%get3A_35, %get3A_36] : memref<2x256xf32, #tpu.memory_space<vmem>>, vector<1x256xf32>
    %mul3A_38 = arith.constant 7.62939453E-6 : f32
    %mul3A_39 = vector.broadcast %mul3A_38 : f32 to vector<1x256xf32>
    %mul3A_40 = arith.mulf %get3A_37, %mul3A_39 : vector<1x256xf32>
    %get3A_41 = arith.constant 1 : index
    %get3A_42 = arith.constant 0 : index
    %get3A_43 = vector.load %arg5[%get3A_41, %get3A_42] : memref<2x256xf32, #tpu.memory_space<vmem>>, vector<1x256xf32>
    %mul3A_44 = arith.constant 7.62939453E-6 : f32
    %mul3A_45 = vector.broadcast %mul3A_44 : f32 to vector<1x256xf32>
    %mul3A_46 = arith.mulf %get3A_43, %mul3A_45 : vector<1x256xf32>
    %mul3A_47 = arith.mulf %mul3A_40, %mul3A_40 : vector<1x256xf32>
    %sub3A_48 = arith.subf %mul3A_46, %mul3A_47 : vector<1x256xf32>
    %get3A_49 = arith.constant 0 : index
    %get3A_50 = arith.constant 0 : index
    %get3A_51 = vector.load %arg6[%get3A_49, %get3A_50] : memref<2x256xf32, #tpu.memory_space<vmem>>, vector<1x256xf32>
    %add3A_52 = arith.constant 9.99999974E-6 : f32
    %add3A_53 = vector.broadcast %add3A_52 : f32 to vector<1x256xf32>
    %add3A_54 = arith.addf %sub3A_48, %add3A_53 : vector<1x256xf32>
    %rsqrt3A_55 = math.rsqrt %add3A_54 : vector<1x256xf32>
    %mul3A_56 = arith.mulf %get3A_51, %rsqrt3A_55 : vector<1x256xf32>
    %get3A_57 = arith.constant 1 : index
    %get3A_58 = arith.constant 0 : index
    %get3A_59 = vector.load %arg6[%get3A_57, %get3A_58] : memref<2x256xf32, #tpu.memory_space<vmem>>, vector<1x256xf32>
    %mul3A_60 = arith.mulf %mul3A_40, %mul3A_56 : vector<1x256xf32>
    %sub3A_61 = arith.subf %get3A_59, %mul3A_60 : vector<1x256xf32>
    %mul3A_62 = vector.broadcast %mul3A_56 : vector<1x256xf32> to vector<4096x256xf32>
    %mul3A_63 = arith.mulf %dot_general3A_34, %mul3A_62 : vector<4096x256xf32>
    %add3A_64 = vector.broadcast %sub3A_61 : vector<1x256xf32> to vector<4096x256xf32>
    %add3A_65 = arith.addf %mul3A_63, %add3A_64 : vector<4096x256xf32>
    %max3A_66 = arith.constant 0.000000e+00 : f32
    %max3A_67 = vector.broadcast %max3A_66 : f32 to vector<4096x256xf32>
    %max3A_68 = arith.maximumf %add3A_65, %max3A_67 : vector<4096x256xf32>
    %reshape3A = vector.shape_cast %max3A_68 : vector<4096x256xf32> to vector<128x32x256xf32>
    %reduce_max3A = arith.constant dense<0xFF800000> : vector<128x256xf32>
    %reduce_max3A_69 = vector.multi_reduction <maximumf>, %reshape3A, %reduce_max3A [1] : vector<128x32x256xf32> to vector<128x256xf32>
    %swap3A = arith.constant 0 : index
    %swap3A_70 = arith.constant 0 : index
    %swap3A_71 = vector.load %arg7[%swap3A, %swap3A_70] : memref<128x256xf32, #tpu.memory_space<vmem>>, vector<128x256xf32>
    tpu.vector_store %arg7[%swap3A, %swap3A_70], %reduce_max3A_69 {strides = array<i32>} : memref<128x256xf32, #tpu.memory_space<vmem>>, vector<128x256xf32>,
    return
  }
  func.func @transform_0(%arg0: i32) -> (i32, i32) {
    %c0_i32 = arith.constant 0 : i32
    %c0_i32_0 = arith.constant 0 : i32
    return %arg0, %c0_i32 : i32, i32
  }
  func.func @transform_1(%arg0: i32) -> (i32, i32) {
    %c0_i32 = arith.constant 0 : i32
    %c0_i32_0 = arith.constant 0 : i32
    %c0_i32_1 = arith.constant 0 : i32
    return %c0_i32, %c0_i32_0 : i32, i32
  }
  func.func @transform_2(%arg0: i32) -> (i32, i32) {
    %c0_i32 = arith.constant 0 : i32
    %c0_i32_0 = arith.constant 0 : i32
    %c0_i32_1 = arith.constant 0 : i32
    return %c0_i32, %c0_i32_0 : i32, i32
  }
  func.func @transform_3(%arg0: i32) -> (i32, i32) {
    %c0_i32 = arith.constant 0 : i32
    %c0_i32_0 = arith.constant 0 : i32
    %c0_i32_1 = arith.constant 0 : i32
    return %c0_i32, %c0_i32_0 : i32, i32
  }
  func.func @transform_4(%arg0: i32) -> (i32, i32) {
    %c0_i32 = arith.constant 0 : i32
    %c0_i32_0 = arith.constant 0 : i32
    %c0_i32_1 = arith.constant 0 : i32
    return %c0_i32, %c0_i32_0 : i32, i32
  }
  func.func @transform_5(%arg0: i32) -> (i32, i32) {
    %c0_i32 = arith.constant 0 : i32
    %c0_i32_0 = arith.constant 0 : i32
    %c0_i32_1 = arith.constant 0 : i32
    return %c0_i32, %c0_i32_0 : i32, i32
  }
  func.func @transform_6(%arg0: i32) -> (i32, i32) {
    %c0_i32 = arith.constant 0 : i32
    %c0_i32_0 = arith.constant 0 : i32
    return %arg0, %c0_i32 : i32, i32
  }
}

</mosaic_0001>

<sc_bundles>
// kernel: kernel.8.cloned.1.call-start
scs
__scs_entry_jumppad:
0x0: {  	(pc) =	sbr.rel $0x88, $3  }
0x1: {  	(tag) =	ssettag $0x0;
	lr =	simm.s32 $0x1  }
0x2: {  	[smem:$0x3F96] =	sst lr;
	_ =	strace $0xD0000000  }
0x3: {  	_ = 	snop  }
0x4: {  	_ = 	snop  }
0x5: {  	_ = 	snop  }
0x6: {  	_ = 	snop  }
0x7: {  	_ = 	snop  }
__scs_overlays_trampoline_lowered:
0x8: {  	[smem:$0x3FA5] =	sst s0  }
0x9: {  	[smem:$0x3FA6] =	sst s1  }
0xa: {  	[smem:$0x3FA7] =	sst s2  }
0xb: {  	[smem:$0x3FA8] =	sst s3  }
0xc: {  	[smem:$0x3FA9] =	sst s4  }
0xd: {  	[smem:$0x3FAA] =	sst s5  }
0xe: {  	[smem:$0x3FAB] =	sst s6  }
0xf: {  	[smem:$0x3FAC] =	sst s7  }
0x10: {  	[smem:$0x3FAD] =	sst s8  }
0x11: {  	[smem:$0x3FAE] =	sst s9;
	s0 =	simm.s32 @!p0 $0x0  }
0x12: {  	s1 =	sld [smem:$0x3F94];
	s0 =	simm.s32 @p0 $0x1  }
0x13: {  	[smem:$0x3FAF] =	sst s0;
	s0 =	simm.s32 @!p1 $0x0  }
0x14: {  	s2 =	sld [smem:$0x3F93];
	s0 =	simm.s32 @p1 $0x1  }
0x15: {  	[smem:$0x3FB0] =	sst s0;
	s0 =	simm.s32 @!p2 $0x0  }
0x16: {  	s3 =	sld [smem:$0x3FDB];
	s0 =	simm.s32 @p2 $0x1  }
0x17: {  	s4 =	simm.s32 $0x1BF5;
	[smem:$0x3FB2] =	sst s0  }
0x18: {  	s0 =	sld [smem:$0x3F95];
	_ =	swait.ge [sflag:s4], $0x0  }
0x19: {  	s7 =	sld [smem:$0x3F96]  }
0x1a: {  	s8 =	sadd.s32 $0xFFFFE003, lr  }
0x1b: {  	s9 =	sadd.s32 $0xFFFFFEF7, lr;
	s5 =	simm.s32 $0xFFFFFFFF;
	p2 =	slt.u32 s8, $0xFFFFF086  }
0x1c: {  	p1 =	slt.u32 s9, $0xF7A;
	s5 =	simm.s32 @!p2 $0x0  }
0x1d: {  	s5 =	simm.s32 @p1 $0x1;
	p0 =	seq.s32 s7, s2  }
0x1e: {  	s7 =	smul.u32 @!p0 $0xF7A, s2;
	p2 =	seq.s32 @!p0 s5, $0x0  }
0x1f: {  	s9 =	smul.u32 $0xF7A, s1;
	s8 =	simm.s32 @!p0 $0x1BF5;
	p2 =	por !p2, p0  }
0x20: {  	[sflag:s8] =	ssyncset.s32 @!p0 $0xFFFFF086;
	s6 =	sadd.s32 @!p0 s3, s7;
	s7 =	simm.s32 @!p0 $0x108  }
0x21: {  	s3 =	sadd.s32 s3, s9;
	s6 =	sadd.s32 @!p0 $0x88, s6;
	s7 =	simm.s32 @p2 $0x1082  }
0x22: {  	[simem:s7], [sflag:s8] =	dma.local @!p0 [hbm:s6], $0xF7A  }
0x23: {  	s9 =	sor.u32 $0xD0000000, s2;
	s6 =	simm.s32 $0x108;
	_ =	swait.ge @!p0 [sflag:s8], $0x0  }
0x24: {  	s3 =	sadd.s32 $0x88, s3;
	s6 =	simm.s32 @!p1 $0x1082;
	[sflag:s4] =	ssyncset.s32 $0xFFFFF086  }
0x25: {  	[simem:s6], [sflag:s4] =	dma.local [hbm:s3], $0xF7A  }
0x26: {  	[smem:$0x3F96] =	sst s1;
	(tag) =	ssettag s2;
	_ =	strace s9  }
0x27: {  	s1 =	sld [smem:$0x3FA6]  }
0x28: {  	s2 =	sld [smem:$0x3FA7]  }
0x29: {  	s4 =	sld [smem:$0x3FA9]  }
0x2a: {  	p0 =	seq.s32 s5, $0x0;
	s5 =	sld [smem:$0x3FAA]  }
0x2b: {  	s6 =	sld [smem:$0x3FAB]  }
0x2c: {  	s7 =	sld [smem:$0x3FAC]  }
0x2d: {  	s3 =	simm.s32 $0x108;
	s8 =	sld [smem:$0x3FAD]  }
0x2e: {  	s3 =	simm.s32 @!p0 $0x1082;
	s9 =	sld [smem:$0x3FAE]  }
0x2f: {  	lr =	sadd.s32 s0, s3;
	s0 =	sld [smem:$0x3FA5]  }
0x30: {  	s3 =	sld [smem:$0x3FA8]  }
0x31: {  	[smem:$0x3FB1] =	sst s10  }
0x32: {  	s10 =	sld [smem:$0x3FAF];
	_ =	sdelay $0x3  }
0x33: {  	p0 =	seq.s32 s10, $0x1;
	s10 =	sld [smem:$0x3FB1];
	_ =	sdelay $0x3  }
0x34: {  	[smem:$0x3FB1] =	sst s10  }
0x35: {  	s10 =	sld [smem:$0x3FB0];
	_ =	sdelay $0x3  }
0x36: {  	p1 =	seq.s32 s10, $0x1;
	s10 =	sld [smem:$0x3FB1];
	_ =	sdelay $0x3  }
0x37: {  	[smem:$0x3FB1] =	sst s10  }
0x38: {  	s10 =	sld [smem:$0x3FB2]  }
0x39: {  	_ = 	snop;
	(pc) =	sbr.ind lr, $3  }
0x3a: {  	_ = 	snop  }
0x3b: {  	_ = 	snop  }
0x3c: {  	p2 =	seq.s32 s10, $0x1;
	s10 =	sld [smem:$0x3FB1]  }
0x3d: {  	_ =	shalt  }
0x3e: {  	_ =	shalt  }
0x3f: {  	_ =	shalt  }
0x40: {  	_ =	shalt  }
0x41: {  	_ =	shalt  }
0x42: {  	_ =	shalt  }
0x43: {  	_ =	shalt  }
0x44: {  	_ =	shalt  }
0x45: {  	_ =	shalt  }
0x46: {  	_ =	shalt  }
0x47: {  	_ =	shalt  }
0x48: {  	_ =	shalt  }
0x49: {  	_ =	shalt  }
0x4a: {  	_ =	shalt  }
0x4b: {  	_ =	shalt  }
0x4c: {  	_ =	shalt  }
0x4d: {  	_ =	shalt  }
0x4e: {  	_ =	shalt  }
0x4f: {  	_ =	shalt  }
0x50: {  	_ =	shalt  }
0x51: {  	_ =	shalt  }
0x52: {  	_ =	shalt  }
0x53: {  	_ =	shalt  }
0x54: {  	_ =	shalt  }
0x55: {  	_ =	shalt  }
0x56: {  	_ =	shalt  }
0x57: {  	_ =	shalt  }
0x58: {  	_ =	shalt  }
0x59: {  	_ =	shalt  }
0x5a: {  	_ =	shalt  }
0x5b: {  	_ =	shalt  }
0x5c: {  	_ =	shalt  }
0x5d: {  	_ =	shalt  }
0x5e: {  	_ =	shalt  }
0x5f: {  	_ =	shalt  }
0x60: {  	_ =	shalt  }
0x61: {  	_ =	shalt  }
0x62: {  	_ =	shalt  }
0x63: {  	_ =	shalt  }
0x64: {  	_ =	shalt  }
0x65: {  	_ =	shalt  }
0x66: {  	_ =	shalt  }
0x67: {  	_ =	shalt  }
0x68: {  	_ =	shalt  }
0x69: {  	_ =	shalt  }
0x6a: {  	_ =	shalt  }
0x6b: {  	_ =	shalt  }
0x6c: {  	_ =	shalt  }
0x6d: {  	_ =	shalt  }
0x6e: {  	_ =	shalt  }
0x6f: {  	_ =	shalt  }
0x70: {  	_ =	shalt  }
0x71: {  	_ =	shalt  }
0x72: {  	_ =	shalt  }
0x73: {  	_ =	shalt  }
0x74: {  	_ =	shalt  }
0x75: {  	_ =	shalt  }
0x76: {  	_ =	shalt  }
0x77: {  	_ =	shalt  }
0x78: {  	_ =	shalt  }
0x79: {  	_ =	shalt  }
0x7a: {  	_ =	shalt  }
0x7b: {  	_ =	shalt  }
0x7c: {  	_ =	shalt  }
0x7d: {  	_ =	shalt  }
0x7e: {  	_ =	shalt  }
0x7f: {  	_ =	shalt  }
0x80: {  	_ =	shalt  }
0x81: {  	_ =	shalt  }
0x82: {  	_ =	shalt  }
0x83: {  	_ =	shalt  }
0x84: {  	_ =	shalt  }
0x85: {  	_ =	shalt  }
0x86: {  	_ =	shalt  }
0x87: {  	_ =	shalt  }
.Lfunc_end0:
.L_simem_size_0:
called_computation_lowered:
.L_overlay_start_0:
0x88: {  	s2 =	sld [smem:$0x3FD9]  }
0x89: {  	s3 =	sld [smem:$0x3FFE];
	_ =	sdelay $0x1  }
0x8a: {  	s1 =	srdreg.scid  }
0x8b: {  	s0 =	sand.u32 $0x1, s1  }
0x8c: {  	s14 =	sshll.u32 s0, $0xA;
	s2 =	sadd.s32 s3, s2  }
0x8d: {  	s2 =	sadd.s32 s2, s14  }
0x8e: {  	[smem:$0x3FBD] =	sst s2  }
0x8f: {  	_ = 	snop  }
0x90: {  	s2 =	sld [smem:$0x3FD0];
	_ =	sdelay $0x2  }
0x91: {  	s15 =	simm.s32 $0xA;
	s4 =	simm.s32 $0x10  }
0x92: {  	[smem:s4], [sflag:s15] =	dma.local [hbm:s2], $0x1  }
0x93: {  	_ =	swait.eq [sflag:s15], $0x1  }
0x94: {  	[sflag:s15] =	ssyncset.done $0x0  }
0x95: {  	[sflag:s15] =	ssyncadd.s32 $0xFFFFFFFF  }
0x96: {  	s16 =	sld [smem:$0x11];
	(tm) =	ssettm $0x1  }
0x97: {  	s17 =	sld [smem:$0x3FFB];
	_ =	sdelay $0x3  }
0x98: {  	_ =	strace s17  }
0x99: {  	s3 =	sld [smem:$0x3FFC];
	_ =	sdelay $0x3  }
0x9a: {  	_ =	strace s3  }
0x9b: {  	s3 =	sld [smem:$0x3FFD];
	_ =	sdelay $0x3  }
0x9c: {  	_ =	strace s3  }
0x9d: {  	_ =	strace $0x8FFFFFFF  }
0x9e: {  	s18 =	sld [smem:$0x3FDB];
	_ =	sdelay $0x1  }
0x9f: {  	s19 =	simm.s32 $_scs_section_size  }
0xa0: {  	s5 =	simm.s32 $_size__tile_overlayer_lowered;
	s6 =	simm.s32 $_tile_overlayer_lowered  }
0xa1: {  	s22 =	simm.s32 $0x1BFF;
	s21 =	sshll.u32 s6, $0x1;
	s3 =	sadd.s32 s19, s18  }
0xa2: {  	s7 =	simm.s32 $0x0;
	s20 =	sshll.u32 s5, $0x1;
	s5 =	sadd.s32 s21, s3  }
0xa3: {  	[timem:s7], [sflag:s22] =	dma.local [hbm:s5], s20  }
0xa4: {  	_ =	swait.ge [sflag:s22], s20  }
0xa5: {  	s4 =	ssub.s32 $0x0, s20;
	[sflag:s22] =	ssyncset.done $0x0  }
0xa6: {  	[sflag:s22] =	ssyncadd.s32 s4;
	_ =	sdelay $0x1  }
0xa7: {  	s23 =	simm.s32 $0x1B8B  }
0xa8: {  	_ =	swait.ge [sflag:s23], $0x1  }
0xa9: {  	[sflag:s23] =	ssyncset.done $0x0  }
0xaa: {  	s25 =	simm.s32 $0x1B8E;
	s24 =	sld [smem:$0x3FFE];
	[sflag:s23] =	ssyncadd.s32 $0xFFFFFFFF  }
0xab: {  	s26 =	simm.s32 $execute0_lowered;
	[smem:$0x3FD2] =	sst s25  }
0xac: {  	s5 =	sshll.u32 s26, $0x1;
	_ =	strace $0x80000046;
	[dreg:$0x1] =	wrdreg $0xFFFFFFFF  }
0xad: {  	s28 =	simm.s32 $_size_execute0_lowered;
	s3 =	sadd.s32 s3, s5;
	[dreg:$0x0] =	wrdreg $0x0  }
0xae: {  	s5 =	sshll.u32 s28, $0x1;
	[dreg:$0x2] =	wrdreg s3  }
0xaf: {  	[dreg:$0x3] =	wrdreg s5  }
0xb0: {  	[dreg:$0x4] =	wrdreg $0xC0  }
0xb1: {  	_ =	task [dreg:s7], $0x5FFFF  }
0xb2: {  	[dreg:$0x1] =	wrdreg $0xFFFFFFFF  }
0xb3: {  	[dreg:$0x0] =	wrdreg $0x60  }
0xb4: {  	[dreg:$0x2] =	wrdreg s24  }
0xb5: {  	[dreg:$0x3] =	wrdreg s16  }
0xb6: {  	[dreg:$0x4] =	wrdreg $0x9  }
0xb7: {  	_ =	task.clear_ibuf [dreg:s7], $0x5FFFF;
	_ =	strace $0x90000046  }
0xb8: {  	s29 =	simm.s32 $0x9;
	_ =	strace $0x80000048  }
0xb9: {  	_ =	swait.ge [sflag:s29], $0x1  }
0xba: {  	[sflag:s29] =	ssyncadd.s32 $0xFFFFFFFF  }
0xbb: {  	_ =	strace $0x90000048  }
0xbc: {  	_ =	sfence  }
0xbd: {  	s30 =	sld [smem:$0x0];
	_ =	sdelay $0x2  }
0xbe: {  	s31 =	sshll.u32 s1, $0xD;
	s1 =	sshrl.u32 s1, $0x2  }
0xbf: {  	s3 =	sand.u32 $0x4000, s31;
	s1 =	sadd.s32 s1, s30  }
0xc0: {  	s0 =	sor.u32 s3, s0;
	s1 =	sshll.u32 s1, $0x11  }
0xc1: {  	s0 =	sor.u32 s1, s0  }
0xc2: {  	s0 =	sadd.s32 $0x8F2B, s0  }
0xc3: {  	[sflag:s0] =	ssyncadd.remote.s32 $0x1  }
0xc4: {  	_ =	sfence.sel $0xFFFF  }
0xc5: {  	[dreg:$0x0] =	wrdreg $0xFFFFFFFF;
	(pc) =	sbr.abs _section_cstart, $3  }
0xc6: {  	[dreg:$0x1] =	wrdreg $0xFFFFFFFF  }
0xc7: {  	_ =	task.clear_ibuf [dreg:s7], $0x2FFFF;
	_ =	strace $0x9FFFFFFF  }
0xc8: {  	(tm) =	ssettm $0x7FFFFFFF  }
0xc9: {  	_ =	shalt  }
tec
execute0_lowered:
.L_overlay_start_1:
0x0: {  	(tag) =	ssettag $0x1  }
0x1: {  	s0 =	rddreg [dreg:$0x0];
	s3 =	stileid.u32  }
0x2: {  	s1 =	srdreg.scid;
	s4 =	rddreg [dreg:$0x1]  }
0x3: {  	s17 =	simm.s32 $0x3;
	s28 =	simm.s32 $0x2;
	s29 =	simm.s32 $0x12220  }
0x4: {  	s30 =	simm.s32 $0x80;
	s31 =	simm.s32 $0x0;
	s1 =	sand.u32 $0x1, s1  }
0x5: {  	s2 =	sshll.u32 s3, $0x1;
	s7 =	sshrl.u32 s3, $0x1;
	s26 =	sadd.s32 $0x45600, s0  }
0x6: {  	s6 =	sor.u32 s1, s2;
	s2 =	simm.s32 $0x0;
	s5 =	sshll.u32 s7, $0x9  }
0x7: {  	s1 =	ssub.s32 $0x2, s1;
	s11 =	sshll.u32 s7, $0xC;
	s25 =	sshll.u32 s6, $0x7  }
0x8: {  	[smem:$0x7FF] =	sst s2;
	s8 =	sadd.s32 s5, s0;
	s10 =	sshrl.u32 s1, $0x1  }
0x9: {  	s24 =	sshll.u32 s6, $0x12;
	s3 =	sand.u32 $0x180, s25;
	_ =	strace $0x80000047  }
0xa: {  	[dreg:$0x3] =	wrdreg s26;
	s10 =	ssub.s32 s1, s10;
	s18 =	sadd.s32 $0x2000, s8  }
0xb: {  	s19 =	sadd.s32 $0x3000, s8;
	s20 =	sadd.s32 $0x4000, s8;
	s25 =	sshll.u32 s6, $0xF  }
0xc: {  	s12 =	sadd.s32 $0xFFFFC000, s24;
	s6 =	sshll.u32 s6, $0xC;
	[dreg:$0x4] =	wrdreg s18  }
0xd: {  	s24 =	simm.s32 $0x7180;
	s3 =	sor.u32 s5, s3;
	[dreg:$0x5] =	wrdreg s19  }
0xe: {  	s5 =	sadd.s32 $0x46600, s0;
	[dreg:$0x6] =	wrdreg s20;
	s15 =	sadd.s32 s4, s6  }
0xf: {  	s16 =	smax.u32 s10, $0x1;
	s18 =	simm.s32 $0x1000;
	s3 =	sshrl.u32 s3, $0x3  }
0x10: {  	s19 =	simm.s32 $0x2000;
	s20 =	simm.s32 $0x7000;
	s9 =	sadd.s32 s3, s0  }
.Ltmp0:
0x11: {  	s26 =	sadd.s32 s25, s5;
	s21 =	sadd.s32 $0x5000, s9;
	(pc) =	sbr.rel .LBB2_1-.Ltmp0, $4  }
0x12: {  	s25 =	simm.s32 $0x1;
	s22 =	sadd.s32 $0x5200, s9;
	[dreg:$0x7] =	wrdreg s21  }
0x13: {  	s3 =	sadd.s32 $0x5600, s0;
	s23 =	sadd.s32 $0x5400, s9;
	[dreg:$0x8] =	wrdreg s22  }
0x14: {  	v0 =	vlaneseq.u32;
	s13 =	sadd.s32 $0x7800, s26;
	s14 =	sadd.s32 $0x7C00, s26;
	[dreg:$0x9] =	wrdreg s23  }
0x15: {  	v2 =	vmul.u32 $0x8, v0;
	v3 =	vor.u32 $0x10, v0;
	v1 =	vmov s11;
	s21 =	simm.s32 $0x7080;
	s22 =	simm.s32 $0x7100;
	s23 =	simm.s32 $0x8220  }
.LBB2_9:
0x16: {  	_ =	swait.ge [sflag:s25], $0x2000  }
0x17: {  	[sflag:s25] =	ssyncset.done $0x0  }
0x18: {  	s0 =	simm.s32 $0x10220;
	[sflag:s25] =	ssyncadd.s32 $0xFFFFE000  }
0x19: {  	[hbm4b:s13+s2] =	stream.linear.scatter [tilespmem:s0], [sflag:$0x3], $0x2000, $0x38;
	[tilespmem:$0x14220] =	vst v63  }
0x1a: {  	_ =	swait.ge [sflag:s17], $0x2000  }
0x1b: {  	[sflag:s17] =	ssyncset.done $0x0  }
0x1c: {  	[sflag:s17] =	ssyncadd.s32 $0xFFFFE000  }
0x1d: {  	_ =	swait.ge [sflag:s28], $0x2000  }
0x1e: {  	[sflag:s28] =	ssyncset.done $0x0  }
0x1f: {  	[sflag:s28] =	ssyncadd.s32 $0xFFFFE000  }
0x20: {  	[hbm4b:s14+s2] =	stream.linear.scatter [tilespmem:s29], [sflag:$0x3], $0x2000, $0x38;
	[tilespmem:$0x14220] =	vst v63  }
0x21: {  	s31 =	sadd.s32 $0x1, s31;
	_ =	swait.ge [sflag:s17], $0x2000  }
0x22: {  	p0 =	sne.s32 s31, s16;
	[sflag:s17] =	ssyncset.done $0x0  }
.Ltmp1:
0x23: {  	[sflag:s17] =	ssyncadd.s32 $0xFFFFE000;
	(pc) =	sbr.rel @!p0 .LBB2_10-.Ltmp1, $4  }
0x24: {  	[hbm4b:s15+s2] =	stream.linear.scatter [tilespmem:s23], [sflag:$0x3], $0x8000, $0x38;
	[tilespmem:$0x14220] =	vst v63  }
0x25: {  	_ =	swait.ge [sflag:s17], $0x8000  }
0x26: {  	[sflag:s17] =	ssyncset.done $0x0  }
0x27: {  	[sflag:s17] =	ssyncadd.s32 $0xFFFF8000  }
.LBB2_1:
0x28: {  	s0 =	rddreg [dreg:$0x4]  }
0x29: {  	[tilespmem:s2], [sflag:$0x3] =	stream.linear.gather [hbm4b:s0+s2], $0x1000, $0x38;
	[tilespmem:$0x14220] =	vst v63  }
0x2a: {  	_ =	swait.ge [sflag:s17], $0x1000  }
0x2b: {  	[sflag:s17] =	ssyncset.done $0x0  }
0x2c: {  	s7 =	rddreg [dreg:$0x5];
	[sflag:s17] =	ssyncadd.s32 $0xFFFFF000  }
0x2d: {  	[tilespmem:s18], [sflag:$0x3] =	stream.linear.gather [hbm4b:s7+s2], $0x1000, $0x38;
	[tilespmem:$0x14220] =	vst v63  }
0x2e: {  	_ =	swait.ge [sflag:s17], $0x1000  }
0x2f: {  	[sflag:s17] =	ssyncset.done $0x0  }
0x30: {  	s8 =	rddreg [dreg:$0x6];
	[sflag:s17] =	ssyncadd.s32 $0xFFFFF000  }
0x31: {  	[tilespmem:s19], [sflag:$0x3] =	stream.linear.gather [hbm4b:s8+s2], $0x1000, $0x38;
	[tilespmem:$0x14220] =	vst v63  }
0x32: {  	_ =	swait.ge [sflag:s17], $0x1000  }
0x33: {  	[sflag:s17] =	ssyncset.done $0x0  }
0x34: {  	s9 =	rddreg [dreg:$0x7];
	[sflag:s17] =	ssyncadd.s32 $0xFFFFF000  }
0x35: {  	[tilespmem:s20], [sflag:$0x3] =	stream.linear.gather [hbm4b:s9+s2], $0x80, $0x38;
	[tilespmem:$0x14220] =	vst v63  }
0x36: {  	_ =	swait.ge [sflag:s17], $0x80  }
0x37: {  	[sflag:s17] =	ssyncset.done $0x0  }
0x38: {  	s10 =	rddreg [dreg:$0x8];
	[sflag:s17] =	ssyncadd.s32 $0xFFFFFF80  }
0x39: {  	[tilespmem:s21], [sflag:$0x3] =	stream.linear.gather [hbm4b:s10+s2], $0x80, $0x38;
	[tilespmem:$0x14220] =	vst v63  }
0x3a: {  	_ =	swait.ge [sflag:s17], $0x80  }
0x3b: {  	[sflag:s17] =	ssyncset.done $0x0  }
0x3c: {  	s11 =	rddreg [dreg:$0x9];
	[sflag:s17] =	ssyncadd.s32 $0xFFFFFF80  }
0x3d: {  	[tilespmem:s22], [sflag:$0x3] =	stream.linear.gather [hbm4b:s11+s2], $0x80, $0x38;
	[tilespmem:$0x14220] =	vst v63  }
0x3e: {  	_ =	swait.ge [sflag:s17], $0x80  }
0x3f: {  	[sflag:s17] =	ssyncset.done $0x0  }
0x40: {  	s26 =	rddreg [dreg:$0x3];
	[sflag:s17] =	ssyncadd.s32 $0xFFFFFF80  }
0x41: {  	[tilespmem:s23], [sflag:$0x3] =	stream.linear.gather [hbm4b:s26+s2], $0x8000, $0x38;
	[tilespmem:$0x14220] =	vst v63  }
0x42: {  	_ =	swait.ge [sflag:s17], $0x8000  }
0x43: {  	[sflag:s17] =	ssyncset.done $0x0  }
0x44: {  	s1 =	simm.s32 $0x0;
	[sflag:s17] =	ssyncadd.s32 $0xFFFF8000  }
0x45: {  	v4 =	vld [tilespmem:s1+$0x0]  }
0x46: {  	v5 =	vld [tilespmem:s1+$0x1000]  }
0x47: {  	v8 =	vld [tilespmem:s1+$0x2000];
	_ =	sdelay $0x3  }
0x48: {  	s0 =	simm.s32 $0x10;
	v7 =	vmul.f32 v4, v4;
	v9 =	vmul.f32 v5, v5;
	v10 =	vshrl.u32 v4, $0x10  }
0x49: {  	v6 =	vld [tilespmem:s0+$0x0];
	v11 =	vshrl.u32 v5, $0x10;
	v12 =	vmul.f32 v8, v8;
	v13 =	vshrl.u32 v8, $0x10  }
0x4a: {  	v10 =	vand.u32 $0x1, v10;
	v11 =	vand.u32 $0x1, v11;
	v9 =	vadd.f32 v9, v7;
	v7 =	vld [tilespmem:s0+$0x1000]  }
0x4b: {  	v10 =	vadd.s32 v10, v4;
	v5 =	vadd.s32 v11, v5;
	v11 =	vand.u32 $0x1, v13  }
0x4c: {  	v4 =	vld [tilespmem:s0+$0x2000];
	v10 =	vadd.s32 $0x7FFF, v10;
	v8 =	vadd.s32 v11, v8  }
0x4d: {  	v5 =	vadd.s32 $0x7FFF, v5;
	v9 =	vadd.f32 v12, v9;
	v10 =	vand.u32 $0xFFFF0000, v10  }
0x4e: {  	v11 =	vshrl.u32 v6, $0x10;
	v8 =	vadd.s32 $0x7FFF, v8;
	v13 =	vand.u32 $0xFFFF0000, v5;
	[tilespmem:s1+$0x4000] =	vst v10  }
0x4f: {  	s4 =	simm.s32 $0x20;
	[tilespmem:s1+$0x3000] =	vst v9;
	v9 =	vmul.f32 v6, v6;
	v10 =	vshrl.u32 v7, $0x10;
	v12 =	vmul.f32 v7, v7  }
0x50: {  	s6 =	simm.s32 $0xC0;
	v11 =	vand.u32 $0x1, v11;
	v8 =	vand.u32 $0xFFFF0000, v8;
	v5 =	vld [tilespmem:s4+$0x0];
	[tilespmem:s1+$0x5000] =	vst v13;
	v10 =	vand.u32 $0x1, v10  }
.LBB2_2:
0x51: {  	p0 =	sne.s32 s6, $0x3FC0;
	v13 =	vld [tilespmem:s4+$0x1000];
	v9 =	vadd.f32 v12, v9;
	v12 =	vmul.f32 v4, v4;
	v14 =	vshrl.u32 v4, $0x10;
	[tilespmem:s1+$0x6000] =	vst v8;
	s1 =	smov.u32 s0;
	s0 =	smov.u32 s4  }
0x52: {  	v6 =	vadd.s32 v11, v6;
	v7 =	vadd.s32 v10, v7;
	v8 =	vand.u32 $0x1, v14  }
.Ltmp2:
0x53: {  	v15 =	vadd.s32 $0x7FFF, v6;
	v9 =	vadd.f32 v12, v9;
	v8 =	vadd.s32 v8, v4;
	v4 =	vld [tilespmem:s0+$0x2000];
	(pc) =	sbr.rel @p0 .LBB2_2-.Ltmp2, $4  }
0x54: {  	v10 =	vand.u32 $0xFFFF0000, v15;
	v12 =	vadd.s32 $0x7FFF, v7;
	v16 =	vadd.s32 $0x7FFF, v8  }
0x55: {  	v14 =	vand.u32 $0xFFFF0000, v12;
	v11 =	vshrl.u32 v5, $0x10;
	[tilespmem:s1+$0x3000] =	vst v9;
	v8 =	vand.u32 $0xFFFF0000, v16;
	v6 =	vmovc v5  }
0x56: {  	s4 =	sshra.s32 s6, $0x2;
	v9 =	vmul.f32 v5, v6;
	v12 =	vmul.f32 v13, v13;
	v15 =	vshrl.u32 v13, $0x10;
	[tilespmem:s1+$0x4000] =	vst v10;
	v7 =	vmovc v13  }
0x57: {  	s6 =	sadd.s32 $0x40, s6;
	v11 =	vand.u32 $0x1, v11;
	v5 =	vld [tilespmem:s4+$0x0];
	v10 =	vand.u32 $0x1, v15;
	[tilespmem:s1+$0x5000] =	vst v14  }
0x58: {  	v13 =	vld [tilespmem:s4+$0x1000];
	v9 =	vadd.f32 v12, v9;
	[tilespmem:s1+$0x6000] =	vst v8;
	v51 =	vmul.f32 v4, v4  }
0x59: {  	v52 =	vshrl.u32 v4, $0x10;
	v6 =	vadd.s32 v11, v6;
	v7 =	vadd.s32 v10, v7;
	v53 =	vld [tilespmem:s4+$0x2000]  }
0x5a: {  	v54 =	vand.u32 $0x1, v52;
	v6 =	vadd.s32 $0x7FFF, v6;
	v7 =	vadd.s32 $0x7FFF, v7  }
0x5b: {  	v8 =	vadd.f32 v51, v9;
	v4 =	vadd.s32 v54, v4;
	v6 =	vand.u32 $0xFFFF0000, v6  }
0x5c: {  	v7 =	vand.u32 $0xFFFF0000, v7;
	v4 =	vadd.s32 $0x7FFF, v4;
	v55 =	vmul.f32 v5, v5  }
0x5d: {  	v57 =	vshrl.u32 v5, $0x10;
	v4 =	vand.u32 $0xFFFF0000, v4;
	v56 =	vmul.f32 v13, v13  }
0x5e: {  	[tilespmem:s0+$0x4000] =	vst v6;
	v58 =	vshrl.u32 v13, $0x10;
	v60 =	vand.u32 $0x1, v57;
	v59 =	vmul.f32 v53, v53  }
0x5f: {  	[tilespmem:s0+$0x3000] =	vst v8;
	v8 =	vand.u32 $0x1, v58;
	v61 =	vshrl.u32 v53, $0x10;
	v5 =	vadd.s32 v60, v5  }
0x60: {  	[tilespmem:s0+$0x6000] =	vst v4;
	v9 =	vadd.f32 v56, v55;
	v4 =	vadd.s32 v8, v13;
	v5 =	vadd.s32 $0x7FFF, v5  }
.Ltmp3:
0x61: {  	[tilespmem:s0+$0x5000] =	vst v7;
	v7 =	vand.u32 $0x1, v61;
	v5 =	vand.u32 $0xFFFF0000, v5;
	v4 =	vadd.s32 $0x7FFF, v4;
	(pc) =	sbr.rel .LBB2_4-.Ltmp3, $4  }
0x62: {  	v7 =	vadd.s32 v7, v53;
	v62 =	vadd.f32 v59, v9;
	v4 =	vand.u32 $0xFFFF0000, v4;
	[tilespmem:s4+$0x4000] =	vst v5  }
0x63: {  	v63 =	vadd.s32 $0x7FFF, v7;
	[tilespmem:s4+$0x5000] =	vst v4  }
0x64: {  	v5 =	vand.u32 $0xFFFF0000, v63;
	[tilespmem:s4+$0x3000] =	vst v62  }
0x65: {  	s1 =	simm.s32 $0x0;
	[tilespmem:s4+$0x6000] =	vst v5  }
.LBB2_8:
0x66: {  	s1 =	sadd.s32 $0x1, s1  }
0x67: {  	p0 =	sne.s32 s1, $0x80  }
.Ltmp4:
0x68: {  	_ = 	snop;
	(pc) =	sbr.rel @!p0 .LBB2_9-.Ltmp4, $1  }
0x69: {  	_ =	sdelay $0x3  }
.LBB2_4:
0x6a: {  	v4 =	vmov s1;
	_ =	sdelay $0x4  }
0x6b: {  	v6 =	vld.idx.msk [tilespmem:v4+s20+$0x0], $0xffff  }
0x6c: {  	v5 =	vld.idx.msk [tilespmem:v4+s21+$0x0], $0xffff;
	_ =	sdelay $0x1  }
0x6d: {  	v4 =	vld.idx.msk [tilespmem:v4+s22+$0x0], $0xffff;
	_ =	sdelay $0x2  }
0x6e: {  	v7 =	vmul.f32 v6, v6;
	v8 =	vmul.f32 v5, v5;
	_ =	sdelay $0x1  }
0x6f: {  	v7 =	vadd.f32 v8, v7;
	v8 =	vmul.f32 v4, v4  }
0x70: {  	v9 =	vshrl.u32 v5, $0x10  }
0x71: {  	v10 =	vshrl.u32 v4, $0x10;
	v7 =	vadd.f32 v8, v7;
	v8 =	vshrl.u32 v6, $0x10  }
0x72: {  	v9 =	vand.u32 $0x1, v9;
	v10 =	vand.u32 $0x1, v10;
	v8 =	vand.u32 $0x1, v8  }
0x73: {  	s0 =	simm.s32 $0x70;
	v9 =	vadd.s32 v9, v5;
	v10 =	vadd.s32 v10, v4;
	v8 =	vadd.s32 v8, v6  }
0x74: {  	s26 =	simm.s32 $0x3040;
	s4 =	simm.s32 $0x6040;
	s6 =	simm.s32 $0x5040;
	v9 =	vadd.s32 $0x7FFF, v9;
	v10 =	vadd.s32 $0x7FFF, v10;
	v8 =	vadd.s32 $0x7FFF, v8  }
0x75: {  	s7 =	simm.s32 $0x4040;
	s9 =	simm.s32 $0x0;
	s8 =	simm.s32 $0x0;
	v9 =	vand.u32 $0xFFFF0000, v9;
	v10 =	vand.u32 $0xFFFF0000, v10;
	v8 =	vand.u32 $0xFFFF0000, v8  }
.LBB2_5:
0x76: {  	v11 =	vld [tilespmem:s7+$0xFFFFFFC0]  }
0x77: {  	v12 =	vld [tilespmem:s6+$0xFFFFFFC0];
	_ =	sdelay $0x1  }
0x78: {  	v13 =	vld [tilespmem:s4+$0xFFFFFFC0];
	_ =	sdelay $0x2  }
0x79: {  	v11 =	vmul.f32 v8, v11;
	v12 =	vmul.f32 v9, v12  }
0x7a: {  	v14 =	vld [tilespmem:s26+$0xFFFFFFC0]  }
0x7b: {  	v26 =	vmul.f32 v10, v13;
	v11 =	vadd.f32 v12, v11;
	_ =	sdelay $0x1  }
0x7c: {  	v11 =	vadd.f32 v26, v11;
	_ =	sdelay $0x1  }
0x7d: {  	v27 =	vadd.f32 v14, v7;
	v11 =	vadd.f32 v11, v11;
	_ =	sdelay $0x1  }
0x7e: {  	v11 =	vsub.f32 v27, v11;
	_ =	sdelay $0x1  }
0x7f: {  	s10 =	sadd.s32 $0xFFFFFF90, s0;
	vm0 =	vgt.f32 v11, $3.999999910e-02  }
0x80: {  	v11 =	vor.u32 s10, v0;
	vm0 =	vmneg vm0  }
0x81: {  	[tilespmem:s9+$0x7180] =	vst.msk vm0, v11;
	v11 =	vmpcnt.ones.xlane vm0  }
0x82: {  	v28 =	vld [tilespmem:s7+$0xFFFFFFD0]  }
0x83: {  	(v2sf) =	vpush v11, $0x0;
	v11 =	vld [tilespmem:s6+$0xFFFFFFD0];
	_ =	sdelay $0x1  }
0x84: {  	v29 =	vld [tilespmem:s4+$0xFFFFFFD0];
	_ =	sdelay $0x2  }
0x85: {  	v12 =	vmul.f32 v8, v28;
	v11 =	vmul.f32 v9, v11  }
0x86: {  	v30 =	vld [tilespmem:s26+$0xFFFFFFD0]  }
0x87: {  	v31 =	vmul.f32 v10, v29;
	v11 =	vadd.f32 v11, v12;
	_ =	sdelay $0x1  }
0x88: {  	v11 =	vadd.f32 v31, v11;
	_ =	sdelay $0x1  }
0x89: {  	v32 =	vadd.f32 v30, v7;
	v11 =	vadd.f32 v11, v11;
	_ =	sdelay $0x1  }
0x8a: {  	v11 =	vsub.f32 v32, v11;
	_ =	sdelay $0x1  }
0x8b: {  	s11 =	sadd.s32 $0xFFFFFFA0, s0;
	s10 =	spop (v2sf);
	vm9 =	vgt.f32 v11, $3.999999910e-02  }
0x8c: {  	v11 =	vor.u32 s11, v0;
	s9 =	sadd.s32 s9, s10;
	vm0 =	vmneg vm9  }
0x8d: {  	[tilespmem:s9+$0x7180] =	vst.msk vm0, v11;
	v11 =	vmpcnt.ones.xlane vm0  }
0x8e: {  	v33 =	vld [tilespmem:s7+$0xFFFFFFE0]  }
0x8f: {  	(v2sf) =	vpush v11, $0x0;
	v11 =	vld [tilespmem:s6+$0xFFFFFFE0];
	_ =	sdelay $0x1  }
0x90: {  	v34 =	vld [tilespmem:s4+$0xFFFFFFE0];
	_ =	sdelay $0x2  }
0x91: {  	v12 =	vmul.f32 v8, v33;
	v11 =	vmul.f32 v9, v11  }
0x92: {  	v35 =	vld [tilespmem:s26+$0xFFFFFFE0]  }
0x93: {  	v36 =	vmul.f32 v10, v34;
	v11 =	vadd.f32 v11, v12;
	_ =	sdelay $0x1  }
0x94: {  	v11 =	vadd.f32 v36, v11;
	_ =	sdelay $0x1  }
0x95: {  	v37 =	vadd.f32 v35, v7;
	v11 =	vadd.f32 v11, v11;
	_ =	sdelay $0x1  }
0x96: {  	v11 =	vsub.f32 v37, v11;
	_ =	sdelay $0x1  }
0x97: {  	s11 =	sadd.s32 $0xFFFFFFB0, s0;
	s10 =	spop (v2sf);
	vm10 =	vgt.f32 v11, $3.999999910e-02  }
0x98: {  	v11 =	vor.u32 s11, v0;
	s9 =	sadd.s32 s9, s10;
	vm0 =	vmneg vm10  }
0x99: {  	[tilespmem:s9+$0x7180] =	vst.msk vm0, v11;
	v11 =	vmpcnt.ones.xlane vm0  }
0x9a: {  	v38 =	vld [tilespmem:s7+$0xFFFFFFF0]  }
0x9b: {  	(v2sf) =	vpush v11, $0x0;
	v11 =	vld [tilespmem:s6+$0xFFFFFFF0];
	_ =	sdelay $0x1  }
0x9c: {  	v39 =	vld [tilespmem:s4+$0xFFFFFFF0];
	_ =	sdelay $0x2  }
0x9d: {  	v12 =	vmul.f32 v8, v38;
	v11 =	vmul.f32 v9, v11  }
0x9e: {  	v40 =	vld [tilespmem:s26+$0xFFFFFFF0]  }
0x9f: {  	v41 =	vmul.f32 v10, v39;
	v11 =	vadd.f32 v11, v12;
	_ =	sdelay $0x1  }
0xa0: {  	v11 =	vadd.f32 v41, v11;
	_ =	sdelay $0x1  }
0xa1: {  	v42 =	vadd.f32 v40, v7;
	v11 =	vadd.f32 v11, v11;
	_ =	sdelay $0x1  }
0xa2: {  	v11 =	vsub.f32 v42, v11;
	_ =	sdelay $0x1  }
0xa3: {  	s11 =	sadd.s32 $0xFFFFFFC0, s0;
	s10 =	spop (v2sf);
	vm11 =	vgt.f32 v11, $3.999999910e-02  }
0xa4: {  	v11 =	vor.u32 s11, v0;
	s9 =	sadd.s32 s9, s10;
	vm0 =	vmneg vm11  }
0xa5: {  	[tilespmem:s9+$0x7180] =	vst.msk vm0, v11;
	v11 =	vmpcnt.ones.xlane vm0  }
0xa6: {  	v43 =	vld [tilespmem:s7+$0x0]  }
0xa7: {  	(v2sf) =	vpush v11, $0x0;
	v11 =	vld [tilespmem:s6+$0x0];
	_ =	sdelay $0x1  }
0xa8: {  	v44 =	vld [tilespmem:s4+$0x0];
	_ =	sdelay $0x2  }
0xa9: {  	v12 =	vmul.f32 v8, v43;
	v11 =	vmul.f32 v9, v11  }
0xaa: {  	v45 =	vld [tilespmem:s26+$0x0]  }
0xab: {  	v46 =	vmul.f32 v10, v44;
	v11 =	vadd.f32 v11, v12;
	_ =	sdelay $0x1  }
0xac: {  	v11 =	vadd.f32 v46, v11;
	_ =	sdelay $0x1  }
0xad: {  	v47 =	vadd.f32 v45, v7;
	v11 =	vadd.f32 v11, v11;
	_ =	sdelay $0x1  }
0xae: {  	v11 =	vsub.f32 v47, v11;
	_ =	sdelay $0x1  }
0xaf: {  	s11 =	sadd.s32 $0xFFFFFFD0, s0;
	s10 =	spop (v2sf);
	vm12 =	vgt.f32 v11, $3.999999910e-02  }
0xb0: {  	v11 =	vor.u32 s11, v0;
	s9 =	sadd.s32 s9, s10;
	vm0 =	vmneg vm12  }
0xb1: {  	[tilespmem:s9+$0x7180] =	vst.msk vm0, v11;
	v11 =	vmpcnt.ones.xlane vm0  }
0xb2: {  	v48 =	vld [tilespmem:s7+$0x10]  }
0xb3: {  	(v2sf) =	vpush v11, $0x0;
	v11 =	vld [tilespmem:s6+$0x10];
	_ =	sdelay $0x1  }
0xb4: {  	v49 =	vld [tilespmem:s4+$0x10];
	_ =	sdelay $0x2  }
0xb5: {  	v12 =	vmul.f32 v8, v48;
	v11 =	vmul.f32 v9, v11  }
0xb6: {  	v50 =	vld [tilespmem:s26+$0x10]  }
0xb7: {  	v51 =	vmul.f32 v10, v49;
	v11 =	vadd.f32 v11, v12;
	_ =	sdelay $0x1  }
0xb8: {  	v11 =	vadd.f32 v51, v11;
	_ =	sdelay $0x1  }
0xb9: {  	v52 =	vadd.f32 v50, v7;
	v11 =	vadd.f32 v11, v11;
	_ =	sdelay $0x1  }
0xba: {  	v11 =	vsub.f32 v52, v11;
	_ =	sdelay $0x1  }
0xbb: {  	s11 =	sadd.s32 $0xFFFFFFE0, s0;
	s10 =	spop (v2sf);
	vm13 =	vgt.f32 v11, $3.999999910e-02  }
0xbc: {  	v11 =	vor.u32 s11, v0;
	s9 =	sadd.s32 s9, s10;
	vm0 =	vmneg vm13  }
0xbd: {  	[tilespmem:s9+$0x7180] =	vst.msk vm0, v11;
	v11 =	vmpcnt.ones.xlane vm0  }
0xbe: {  	v53 =	vld [tilespmem:s7+$0x20]  }
0xbf: {  	(v2sf) =	vpush v11, $0x0;
	v11 =	vld [tilespmem:s6+$0x20];
	_ =	sdelay $0x1  }
0xc0: {  	v54 =	vld [tilespmem:s4+$0x20];
	_ =	sdelay $0x2  }
0xc1: {  	v12 =	vmul.f32 v8, v53;
	v11 =	vmul.f32 v9, v11  }
0xc2: {  	v55 =	vld [tilespmem:s26+$0x20]  }
0xc3: {  	v56 =	vmul.f32 v10, v54;
	v11 =	vadd.f32 v11, v12;
	_ =	sdelay $0x1  }
0xc4: {  	v11 =	vadd.f32 v56, v11;
	_ =	sdelay $0x1  }
0xc5: {  	v57 =	vadd.f32 v55, v7;
	v11 =	vadd.f32 v11, v11;
	_ =	sdelay $0x1  }
0xc6: {  	v11 =	vsub.f32 v57, v11;
	_ =	sdelay $0x1  }
0xc7: {  	s11 =	sadd.s32 $0xFFFFFFF0, s0;
	s10 =	spop (v2sf);
	vm14 =	vgt.f32 v11, $3.999999910e-02  }
0xc8: {  	v11 =	vor.u32 s11, v0;
	s9 =	sadd.s32 s9, s10;
	vm0 =	vmneg vm14  }
0xc9: {  	[tilespmem:s9+$0x7180] =	vst.msk vm0, v11  }
0xca: {  	v11 =	vld [tilespmem:s7+$0x30]  }
0xcb: {  	v58 =	vld [tilespmem:s6+$0x30];
	_ =	sdelay $0x1  }
0xcc: {  	v59 =	vld [tilespmem:s4+$0x30];
	_ =	sdelay $0x2  }
0xcd: {  	v11 =	vmul.f32 v8, v11;
	v12 =	vmul.f32 v9, v58  }
0xce: {  	v60 =	vld [tilespmem:s26+$0x30]  }
0xcf: {  	v61 =	vmul.f32 v10, v59;
	v11 =	vadd.f32 v12, v11;
	_ =	sdelay $0x1  }
0xd0: {  	v11 =	vadd.f32 v61, v11;
	_ =	sdelay $0x1  }
0xd1: {  	v62 =	vadd.f32 v60, v7;
	v11 =	vadd.f32 v11, v11;
	_ =	sdelay $0x1  }
0xd2: {  	v11 =	vsub.f32 v62, v11;
	_ =	sdelay $0x1  }
0xd3: {  	vm1 =	vgt.f32 v11, $3.999999910e-02  }
0xd4: {  	v11 =	vmpcnt.ones.xlane vm0;
	vm15 =	vmneg vm1  }
0xd5: {  	v63 =	vmpcnt.ones.xlane vm15  }
0xd6: {  	(v2sf) =	vpush v11, $0x0  }
0xd7: {  	(v2sf) =	vpush v63, $0x0;
	_ =	sdelay $0xd  }
0xd8: {  	s11 =	spop (v2sf)  }
0xd9: {  	s10 =	sadd.s32 s9, s11;
	s11 =	spop (v2sf)  }
0xda: {  	p0 =	sgt.u32 s8, $0xF7;
	s9 =	sadd.s32 s10, s11  }
0xdb: {  	p1 =	slt.s32 @!p0 s9, $0x20  }
0xdc: {  	p0 =	por p0, !p1  }
.Ltmp5:
0xdd: {  	_ = 	snop;
	(pc) =	sbr.rel @!p0 .LBB2_5-.Ltmp5, $3  }
0xde: {  	_ =	sdelay $0x1  }
0xdf: {  	s8 =	sadd.s32 $0x8, s8;
	s26 =	sadd.s32 $0x80, s26;
	s4 =	sadd.s32 $0x80, s4;
	v11 =	vor.u32 s0, v0  }
0xe0: {  	s6 =	sadd.s32 $0x80, s6;
	s7 =	sadd.s32 $0x80, s7;
	s0 =	sadd.s32 $0x80, s0;
	[tilespmem:s10+$0x7180] =	vst.msk vm15, v11  }
0xe1: {  	v7 =	vld.msk [tilespmem:s24+$0x0], $0xffff  }
0xe2: {  	v8 =	vld [tilespmem:$0x7180];
	_ =	sdelay $0x2  }
0xe3: {  	v9 =	vmov s9  }
0xe4: {  	vm0 =	vgt.s32 v9, v0  }
0xe5: {  	v8 =	vsel vm0, v8, v7;
	_ =	sdelay $0x3  }
0xe6: {  	s4 =	sshll.u32 s1, $0x5  }
0xe7: {  	v11 =	vmov s4;
	v10 =	vld.idx.msk [tilespmem:v8+s2+$0x0], $0xffff  }
0xe8: {  	v11 =	vshll.u32 v11, $0x3;
	v12 =	vld.idx.msk [tilespmem:v8+s18+$0x0], $0xffff  }
0xe9: {  	v11 =	vor.u32 v2, v11;
	v13 =	vld.idx.msk [tilespmem:v8+s19+$0x0], $0xffff  }
0xea: {  	v14 =	vor.u32 $0x1, v11  }
0xeb: {  	v15 =	vor.u32 $0x2, v11  }
0xec: {  	v10 =	vsub.f32 v10, v6  }
0xed: {  	v12 =	vsub.f32 v12, v5  }
0xee: {  	s6 =	sand.u32 $0x3, s1;
	s0 =	sand.u32 $0x3FFFFF80, s4;
	v59 =	vsub.f32 v13, v4;
	[tilespmem:v11+s23+$0x0] =	vst.idx.msk $0xffff, v10  }
0xef: {  	s7 =	sshll.u32 s6, $0x5;
	s0 =	sadd.s32 $0x7220, s0;
	[tilespmem:v14+s23+$0x0] =	vst.idx.msk $0xffff, v12  }
0xf0: {  	s7 =	sadd.s32 s7, s0;
	v8 =	vadd.s32 v1, v8;
	[tilespmem:v15+s23+$0x0] =	vst.idx.msk $0xffff, v59  }
0xf1: {  	[tilespmem:s7+$0x0] =	vst v8  }
0xf2: {  	v8 =	vld [tilespmem:$0x7190];
	_ =	sdelay $0x3  }
0xf3: {  	vm15 =	vgt.s32 v9, v3  }
0xf4: {  	v7 =	vsel vm15, v8, v7;
	_ =	sdelay $0x3  }
0xf5: {  	s4 =	sor.u32 $0x10, s4  }
0xf6: {  	v60 =	vmov s4;
	v8 =	vld.idx.msk [tilespmem:v7+s2+$0x0], $0xffff  }
0xf7: {  	v9 =	vshll.u32 v60, $0x3;
	v10 =	vld.idx.msk [tilespmem:v7+s18+$0x0], $0xffff  }
0xf8: {  	v9 =	vor.u32 v2, v9;
	v11 =	vld.idx.msk [tilespmem:v7+s19+$0x0], $0xffff  }
0xf9: {  	p0 =	sne.s32 s6, $0x3;
	s4 =	sshrl.u32 s1, $0x2;
	v61 =	vor.u32 $0x1, v9  }
0xfa: {  	s6 =	sand.u32 @!p0 $0x1, s4;
	v62 =	vor.u32 $0x2, v9  }
0xfb: {  	p1 =	seq.s32 @!p0 s6, $0x1;
	v63 =	vsub.f32 v8, v6  }
0xfc: {  	p2 =	por p1, p0;
	v5 =	vsub.f32 v10, v5  }
0xfd: {  	p3 =	slt.u32 @!p2 s1, $0x8;
	v4 =	vsub.f32 v11, v4;
	[tilespmem:v9+s23+$0x0] =	vst.idx.msk $0xffff, v63  }
0xfe: {  	p3 =	por @!p0 p3, p1;
	[tilespmem:v61+s23+$0x0] =	vst.idx.msk $0xffff, v5  }
0xff: {  	p3 =	por p3, p0;
	[tilespmem:v62+s23+$0x0] =	vst.idx.msk $0xffff, v4;
	v4 =	vadd.s32 v1, v7  }
0x100: {  	s6 =	simm.s32 @!p3 $0x1;
	[tilespmem:s7+$0x10] =	vst v4  }
0x101: {  	s7 =	sshll.u32 @!p3 s4, $0xD;
	_ =	swait.ge @!p3 [sflag:s6], $0x2000  }
0x102: {  	s7 =	sadd.s32 @!p3 s7, s12;
	[sflag:s6] =	ssyncset.done @!p3 $0x0  }
0x103: {  	[sflag:s6] =	ssyncadd.s32 @!p3 $0xFFFFE000;
	s6 =	sshrl.u32 @!p3 s7, $0x3  }
0x104: {  	s8 =	simm.s32 @!p3 $0x10220;
	s7 =	simm.s32 @!p3 $0x0;
	s6 =	sadd.s32 @!p3 s5, s6  }
0x105: {  	[hbm4b:s6+s7] =	stream.linear.scatter @!p3 [tilespmem:s8], [sflag:$0x3], $0x2000, $0x38;
	[tilespmem:$0x14220] =	vst v63  }
0x106: {  	s6 =	simm.s32 @!p3 $0x3  }
0x107: {  	_ =	swait.ge @!p3 [sflag:s6], $0x2000  }
0x108: {  	[sflag:s6] =	ssyncset.done @!p3 $0x0  }
0x109: {  	s7 =	simm.s32 @!p2 $0x10220;
	[sflag:s6] =	ssyncadd.s32 @!p3 $0xFFFFE000;
	s6 =	simm.s32 @!p2 $0x80  }
0x10a: {  	[tilespmem:s7], [sflag:$0x1] =	stream.indirect.gather @!p2 [hbm4b:s3+s6], $0x40, s0, s6, $0xb8;
	[tilespmem:$0x14220] =	vst v63  }
0x10b: {  	s6 =	sand.u32 @!p2 $0x4, s1  }
0x10c: {  	p2 =	seq.s32 @!p2 s6, $0x0  }
0x10d: {  	p1 =	por @!p0 p1, !p2  }
0x10e: {  	p0 =	por p0, !p1  }
.Ltmp6:
0x10f: {  	_ = 	snop;
	(pc) =	sbr.rel @p0 .LBB2_8-.Ltmp6, $1  }
0x110: {  	_ =	sdelay $0x3  }
0x111: {  	p0 =	slt.u32 s1, $0x8  }
0x112: {  	s6 =	simm.s32 @!p0 $0x2;
	s4 =	sshll.u32 @!p0 s4, $0xD  }
0x113: {  	_ =	swait.ge @!p0 [sflag:s6], $0x2000;
	s4 =	sadd.s32 @!p0 s4, s12  }
0x114: {  	s7 =	simm.s32 @!p0 $0x12220;
	[sflag:s6] =	ssyncset.done @!p0 $0x0;
	s4 =	sshrl.u32 @!p0 s4, $0x3  }
0x115: {  	[sflag:s6] =	ssyncadd.s32 @!p0 $0xFFFFE000;
	s4 =	sadd.s32 @!p0 s5, s4;
	s6 =	simm.s32 @!p0 $0x0  }
0x116: {  	[hbm4b:s4+s6] =	stream.linear.scatter @!p0 [tilespmem:s7], [sflag:$0x3], $0x2000, $0x38;
	[tilespmem:$0x14220] =	vst v63  }
.Ltmp7:
0x117: {  	s4 =	simm.s32 @!p0 $0x3;
	(pc) =	sbr.rel .LBB2_8-.Ltmp7, $4  }
0x118: {  	_ =	swait.ge @!p0 [sflag:s4], $0x2000  }
0x119: {  	[sflag:s4] =	ssyncset.done @!p0 $0x0  }
0x11a: {  	[sflag:s4] =	ssyncadd.s32 @!p0 $0xFFFFE000  }
0x11b: {  	[tilespmem:s29], [sflag:$0x2] =	stream.indirect.gather [hbm4b:s3+s30], $0x40, s0, s30, $0xb8;
	[tilespmem:$0x14220] =	vst v63  }
.LBB2_10:
0x11c: {  	_ =	sfence.sel $0x180000  }
0x11d: {  	[bflag:$0x0] =	sbarrier.arrive $0xFFFF  }
0x11e: {  	_ =	strace $0x90000047  }
0x11f: {  	s0 =	stileid.u32;
	[bflag:$0x2] =	sbarrier.arrive $0xFFFF  }
0x120: {  	p0 =	sne.s32 s0, $0x0;
	s0 =	rddreg [dreg:$0x2]  }
0x121: {  	s0 =	sadd.s32 @!p0 $0x100000, s0  }
0x122: {  	[sflag:s0] =	ssyncadd.tile.s32 @!p0 $0x1;
	_ =	shalt  }
.Lfunc_end2:
_tile_overlayer_lowered:
.L_overlay_start_2:
0x123: {  	(tag) =	ssettag $0x2  }
0x124: {  	s0 =	rddreg [dreg:$0x0];
	s2 =	stileid.u32  }
0x125: {  	s1 =	rddreg [dreg:$0x1];
	p0 =	sne.s32 s2, $0x0  }
0x126: {  	s3 =	rddreg [dreg:$0x2];
	[bflag:$0x3] =	sbarrier.arrive $0xFFFF;
	s2 =	simm.s32 @!p0 $0x1C03  }
0x127: {  	[timem:s3], [sflag:s2] =	dma.local @!p0 [hbm:s0], s1  }
0x128: {  	s0 =	simm.s32 @!p0 $0x3  }
0x129: {  	_ =	swait.ge @!p0 [sflag:s0], s1  }
0x12a: {  	s1 =	ssub.s32 @!p0 $0x0, s1;
	[sflag:s0] =	ssyncset.done @!p0 $0x0  }
0x12b: {  	[sflag:s0] =	ssyncadd.s32 @!p0 s1  }
0x12c: {  	[bflag:$0x3] =	sbarrier.arrive $0xFFFF  }
0x12d: {  	_ =	shalt  }

</sc_bundles>
